<compile_context>
chip_gen: v7x
topology: tpu7x:2x2x1
jax: 0.10.2.dev20260603
libtpu: 0.0.44.dev20260713+nightly
codegen_flags: <defaults>
</compile_context>

<pallas_src>
import functools

import jax
import jax.numpy as jnp
from jax import lax
from jax.experimental import pallas as pl
from jax.experimental.pallas import tpu as pltpu
from jax.experimental.pallas import tpu_sc as plsc

VOCAB = 100000
DIM = 64
BATCH = 16384
NC = 2
NS = 16
NW = NC * NS
BPW = BATCH // NW
CHUNK = 128
NCHUNK = BPW // CHUNK
L = 16

CB = 8192
HB = CB // 2
RGRID = (VOCAB + CB - 1) // CB
P2ROWS = RGRID * HB
CSH = CB.bit_length() - 1
HSH = CSH - 1


def _tc_repack_body(l0, l1, l2, o01, o2):
    o01[...] = jnp.transpose(jnp.concatenate([l0[...], l1[...]], axis=0))
    o2[...] = jnp.transpose(jnp.concatenate(
        [l2[:, 0:HB], l2[:, HB:CB]], axis=0))


def _tc_repack(lt0, lt1, lt2):
    inblk = pl.BlockSpec((DIM, CB), lambda i: (0, i))
    return pl.pallas_call(
        _tc_repack_body,
        grid=(RGRID,),
        in_specs=[inblk, inblk, inblk],
        out_specs=[pl.BlockSpec((CB, 2 * DIM), lambda i: (i, 0)),
                   pl.BlockSpec((HB, 2 * DIM), lambda i: (i, 0))],
        out_shape=(jax.ShapeDtypeStruct((VOCAB, 2 * DIM), jnp.float32),
                   jax.ShapeDtypeStruct((P2ROWS, 2 * DIM), jnp.float32)),
    )(lt0, lt1, lt2)


def _sc_pipeline(jobs, base, bufs, gs, ws):
    gats = [None, None]
    wbs = [None, None]

    def issue_wb(kk):
        idx_, src_, dst_, col_, full_, j_ = jobs[kk]
        s_ = kk % 2
        gats[s_].wait()
        rows = pl.ds(base + j_ * CHUNK, CHUNK)
        if full_:
            wbs[s_] = pltpu.async_copy(bufs[s_], dst_.at[rows], ws[s_])
        else:
            wbs[s_] = pltpu.async_copy(
                bufs[s_].at[:, pl.ds(col_, DIM)],
                dst_.at[rows, pl.ds(col_, DIM)], ws[s_])

    for k, (idx, src, dst, col, full, j) in enumerate(jobs):
        s = k % 2
        if wbs[s] is not None:
            wbs[s].wait()
        gats[s] = pltpu.async_copy(
            src.at[idx.at[pl.ds(j * CHUNK, CHUNK)]], bufs[s], gs[s])
        if k >= 1:
            issue_wb(k - 1)
    issue_wb(len(jobs) - 1)
    wbs[0].wait()
    wbs[1].wait()


def _sc_gather_body(xT, p01, p2, e01, e2, idx0, idx1, idx2, bufA, bufB,
                    gsA, gsB, wsA, wsB):
    wid = lax.axis_index("s") * NC + lax.axis_index("c")
    base = wid * BPW
    for t, idx in enumerate((idx0, idx1, idx2)):
        pltpu.sync_copy(xT.at[t, pl.ds(base, BPW)], idx)
    for i in range(BPW // L):
        v = idx2[pl.ds(i * L, L)]
        idx2[pl.ds(i * L, L)] = ((v >> CSH) << HSH) | (v & (HB - 1))
    jobs = []
    for idx, src, dst, col, full in ((idx0, p01, e01, 0, False),
                                     (idx1, p01, e01, DIM, False),
                                     (idx2, p2, e2, 0, True)):
        for j in range(NCHUNK):
            jobs.append((idx, src, dst, col, full, j))
    _sc_pipeline(jobs, base, (bufA, bufB), (gsA, gsB), (wsA, wsB))


@functools.cache
def _sc_gather():
    packed = jax.ShapeDtypeStruct((BATCH, 2 * DIM), jnp.float32)
    return pl.kernel(
        _sc_gather_body,
        mesh=plsc.VectorSubcoreMesh(core_axis_name="c", subcore_axis_name="s"),
        out_type=(packed, packed),
        scratch_types=[
            pltpu.VMEM((BPW,), jnp.int32),
            pltpu.VMEM((BPW,), jnp.int32),
            pltpu.VMEM((BPW,), jnp.int32),
            pltpu.VMEM((CHUNK, 2 * DIM), jnp.float32),
            pltpu.VMEM((CHUNK, 2 * DIM), jnp.float32),
            pltpu.SemaphoreType.DMA,
            pltpu.SemaphoreType.DMA,
            pltpu.SemaphoreType.DMA,
            pltpu.SemaphoreType.DMA,
        ],
        compiler_params=pltpu.CompilerParams(use_tc_tiling_on_sc=False),
    )


BM = 8192


def _tc_proj_body(xb, e01, e2p, w, b, o):
    h = ((xb[2, 0, :] >> HSH) & 1).reshape(BM, 1)
    e2 = jnp.where(h > 0, e2p[:, DIM:2 * DIM], e2p[:, 0:DIM])
    acc = lax.dot_general(w[0:2 * DIM, :], e01[...],
                          (((0,), (1,)), ((), ())),
                          preferred_element_type=jnp.float32)
    acc += lax.dot_general(w[2 * DIM:3 * DIM, :], e2,
                           (((0,), (1,)), ((), ())),
                           preferred_element_type=jnp.float32)
    o[...] = acc * 8.0 + b[...]


def _tc_project(xT3, e01, e2p, w, bcol):
    grid = (BATCH // BM,)
    eblk = pl.BlockSpec((BM, 2 * DIM), lambda i: (i, 0))
    outT = pl.pallas_call(
        _tc_proj_body,
        grid=grid,
        in_specs=[
            pl.BlockSpec((3, 1, BM), lambda i: (0, 0, i)),
            eblk, eblk,
            pl.BlockSpec((3 * DIM, DIM), lambda i: (0, 0)),
            pl.BlockSpec((DIM, 1), lambda i: (0, 0)),
        ],
        out_specs=pl.BlockSpec((DIM, BM), lambda i: (0, i)),
        out_shape=jax.ShapeDtypeStruct((DIM, BATCH), jnp.float32),
    )(xT3, e01, e2p, w, bcol)
    return outT.T


def kernel(x, lut0, lut1, lut2, W, b):
    xT = x.astype(jnp.int32).T
    p01, p2 = _tc_repack(lut0.T, lut1.T, lut2.T)
    e01, e2p = _sc_gather()(xT, p01, p2)
    return _tc_project(xT.reshape(3, 1, BATCH), e01, e2p, W,
                       b.reshape(DIM, 1))

# --- scband reference (transcript-rebuilt; emitter-appended) ---
"""Pipeline reference for scband-vert-coord-joint-embeddings-64965675319544 (READ-ONLY COPY).

The authoritative reference and input builder live on the scoring server;
editing this copy changes nothing except your own understanding.
"""

import jax, jax.numpy as jnp
import numpy as np

VOCAB = 100000
DIM = 64
BATCH = 16384

def setup_inputs(seed: int = 0) -> dict:
    key = jax.random.key(seed)
    ks = jax.random.split(key, 6)
    x = jax.random.randint(ks[0], (BATCH, 3), 0, VOCAB, dtype=jnp.int64)
    lut0 = jax.random.normal(ks[1], (VOCAB, DIM), dtype=jnp.float32) * 0.02
    lut1 = jax.random.normal(ks[2], (VOCAB, DIM), dtype=jnp.float32) * 0.02
    lut2 = jax.random.normal(ks[3], (VOCAB, DIM), dtype=jnp.float32) * 0.02
    # torch Linear(dim*3, dim): weight [dim, dim*3], store transposed [dim*3, dim]
    W = jax.random.normal(ks[4], (DIM * 3, DIM), dtype=jnp.float32) * (1.0 / np.sqrt(DIM * 3))
    b = jax.random.normal(ks[5], (DIM,), dtype=jnp.float32) * 0.01
    return {"x": x, "lut0": lut0, "lut1": lut1, "lut2": lut2, "W": W, "b": b}

def reference(x, lut0, lut1, lut2, W, b):
    scale = jnp.sqrt(jnp.float32(DIM))
    e0 = jnp.take(lut0, x[:, 0], axis=0) * scale
    e1 = jnp.take(lut1, x[:, 1], axis=0) * scale
    e2 = jnp.take(lut2, x[:, 2], axis=0) * scale
    cat = jnp.concatenate((e0, e1, e2), axis=1)
    return cat @ W + b

if __name__ == "__main__":
    import jax
    _d = setup_inputs()
    print(jax.jit(kernel)(*tuple(_d.values())))

</pallas_src>

<mosaic_0001>
#map = affine_map<(d0, d1) -> (0, 0)>
module attributes {stable_mosaic.version = 14 : i64} {
  func.func @_sc_gather_body(%arg0: i32, %arg1: i32, %arg2: memref<3x16384xi32, #tpu.memory_space<hbm>>, %arg3: memref<100000x128xf32, #tpu.memory_space<hbm>>, %arg4: memref<53248x128xf32, #tpu.memory_space<hbm>>, %arg5: memref<16384x128xf32, #tpu.memory_space<hbm>>, %arg6: memref<16384x128xf32, #tpu.memory_space<hbm>>, %arg7: memref<512xi32, #tpu.memory_space<vmem>>, %arg8: memref<512xi32, #tpu.memory_space<vmem>>, %arg9: memref<512xi32, #tpu.memory_space<vmem>>, %arg10: memref<128x128xf32, #tpu.memory_space<vmem>>, %arg11: memref<128x128xf32, #tpu.memory_space<vmem>>, %arg12: memref<!tpu.dma_semaphore, #tpu.memory_space<semaphore_mem>>, %arg13: memref<!tpu.dma_semaphore, #tpu.memory_space<semaphore_mem>>, %arg14: memref<!tpu.dma_semaphore, #tpu.memory_space<semaphore_mem>>, %arg15: memref<!tpu.dma_semaphore, #tpu.memory_space<semaphore_mem>>) attributes {dimension_semantics = [#tpu.dimension_semantics<core_parallel>, #tpu.dimension_semantics<subcore_parallel>], iteration_bounds = array<i64: 2, 16>, scalar_prefetch = 0 : i64, scratch_operands = 9 : i64, tpu.core_type = #tpu.core_type<sc_vector_subcore>, window_params = [{transform_indices = #map}, {transform_indices = #map}, {transform_indices = #map}, {transform_indices = #map}, {transform_indices = #map}]} {
    %mul3A = arith.constant 2 : i32
    %mul3A_0 = arith.muli %arg1, %mul3A : i32
    %add3A = arith.addi %mul3A_0, %arg0 : i32
    %mul3A_1 = arith.constant 512 : i32
    %mul3A_2 = arith.muli %add3A, %mul3A_1 : i32
    %run_scoped3A = arith.constant 0 : i32
    "tpu.region"() ({
      %run_scoped3A_877 = tpu.sem_alloc : memref<!tpu.dma_semaphore, #tpu.memory_space<semaphore_mem>>
      %dma_start3A_878 = tpu.memref_slice %arg2[%run_scoped3A, %mul3A_2] : memref<3x16384xi32, #tpu.memory_space<hbm>> -> memref<1x512xi32, #tpu.memory_space<hbm>>
      %dma_start3A_879 = tpu.memref_squeeze %dma_start3A_878 : memref<1x512xi32, #tpu.memory_space<hbm>> -> memref<512xi32, #tpu.memory_space<hbm>>
      %dma_start3A_880 = tpu.memref_slice %arg2[%run_scoped3A, %mul3A_2] : memref<3x16384xi32, #tpu.memory_space<hbm>> -> memref<1x512xi32, #tpu.memory_space<hbm>>
      %dma_start3A_881 = tpu.memref_squeeze %dma_start3A_880 : memref<1x512xi32, #tpu.memory_space<hbm>> -> memref<512xi32, #tpu.memory_space<hbm>>
      tpu.enqueue_dma source(%dma_start3A_881 : memref<512xi32, #tpu.memory_space<hbm>>) target(%arg7 : memref<512xi32, #tpu.memory_space<vmem>>) target_semaphore(%run_scoped3A_877 : memref<!tpu.dma_semaphore, #tpu.memory_space<semaphore_mem>>)
      %dma_wait3A_882 = tpu.memref_slice %arg2[%run_scoped3A, %mul3A_2] : memref<3x16384xi32, #tpu.memory_space<hbm>> -> memref<1x512xi32, #tpu.memory_space<hbm>>
      %dma_wait3A_883 = tpu.memref_squeeze %dma_wait3A_882 : memref<1x512xi32, #tpu.memory_space<hbm>> -> memref<512xi32, #tpu.memory_space<hbm>>
      %dma_wait3A_884 = tpu.memref_slice %arg2[%run_scoped3A, %mul3A_2] : memref<3x16384xi32, #tpu.memory_space<hbm>> -> memref<1x512xi32, #tpu.memory_space<hbm>>
      %dma_wait3A_885 = tpu.memref_squeeze %dma_wait3A_884 : memref<1x512xi32, #tpu.memory_space<hbm>> -> memref<512xi32, #tpu.memory_space<hbm>>
      tpu.wait_dma2 semaphore(%run_scoped3A_877 : memref<!tpu.dma_semaphore, #tpu.memory_space<semaphore_mem>>) src(%dma_wait3A_885 : memref<512xi32, #tpu.memory_space<hbm>>) dst(%arg7 : memref<512xi32, #tpu.memory_space<vmem>>)
      tpu.yield
    }) : () -> ()
    %run_scoped3A_3 = arith.constant 1 : i32
    "tpu.region"() ({
      %run_scoped3A_877 = tpu.sem_alloc : memref<!tpu.dma_semaphore, #tpu.memory_space<semaphore_mem>>
      %dma_start3A_878 = tpu.memref_slice %arg2[%run_scoped3A_3, %mul3A_2] : memref<3x16384xi32, #tpu.memory_space<hbm>> -> memref<1x512xi32, #tpu.memory_space<hbm>>
      %dma_start3A_879 = tpu.memref_squeeze %dma_start3A_878 : memref<1x512xi32, #tpu.memory_space<hbm>> -> memref<512xi32, #tpu.memory_space<hbm>>
      %dma_start3A_880 = tpu.memref_slice %arg2[%run_scoped3A_3, %mul3A_2] : memref<3x16384xi32, #tpu.memory_space<hbm>> -> memref<1x512xi32, #tpu.memory_space<hbm>>
      %dma_start3A_881 = tpu.memref_squeeze %dma_start3A_880 : memref<1x512xi32, #tpu.memory_space<hbm>> -> memref<512xi32, #tpu.memory_space<hbm>>
      tpu.enqueue_dma source(%dma_start3A_881 : memref<512xi32, #tpu.memory_space<hbm>>) target(%arg8 : memref<512xi32, #tpu.memory_space<vmem>>) target_semaphore(%run_scoped3A_877 : memref<!tpu.dma_semaphore, #tpu.memory_space<semaphore_mem>>)
      %dma_wait3A_882 = tpu.memref_slice %arg2[%run_scoped3A_3, %mul3A_2] : memref<3x16384xi32, #tpu.memory_space<hbm>> -> memref<1x512xi32, #tpu.memory_space<hbm>>
      %dma_wait3A_883 = tpu.memref_squeeze %dma_wait3A_882 : memref<1x512xi32, #tpu.memory_space<hbm>> -> memref<512xi32, #tpu.memory_space<hbm>>
      %dma_wait3A_884 = tpu.memref_slice %arg2[%run_scoped3A_3, %mul3A_2] : memref<3x16384xi32, #tpu.memory_space<hbm>> -> memref<1x512xi32, #tpu.memory_space<hbm>>
      %dma_wait3A_885 = tpu.memref_squeeze %dma_wait3A_884 : memref<1x512xi32, #tpu.memory_space<hbm>> -> memref<512xi32, #tpu.memory_space<hbm>>
      tpu.wait_dma2 semaphore(%run_scoped3A_877 : memref<!tpu.dma_semaphore, #tpu.memory_space<semaphore_mem>>) src(%dma_wait3A_885 : memref<512xi32, #tpu.memory_space<hbm>>) dst(%arg8 : memref<512xi32, #tpu.memory_space<vmem>>)
      tpu.yield
    }) : () -> ()
    %run_scoped3A_4 = arith.constant 2 : i32
    "tpu.region"() ({
      %run_scoped3A_877 = tpu.sem_alloc : memref<!tpu.dma_semaphore, #tpu.memory_space<semaphore_mem>>
      %dma_start3A_878 = tpu.memref_slice %arg2[%run_scoped3A_4, %mul3A_2] : memref<3x16384xi32, #tpu.memory_space<hbm>> -> memref<1x512xi32, #tpu.memory_space<hbm>>
      %dma_start3A_879 = tpu.memref_squeeze %dma_start3A_878 : memref<1x512xi32, #tpu.memory_space<hbm>> -> memref<512xi32, #tpu.memory_space<hbm>>
      %dma_start3A_880 = tpu.memref_slice %arg2[%run_scoped3A_4, %mul3A_2] : memref<3x16384xi32, #tpu.memory_space<hbm>> -> memref<1x512xi32, #tpu.memory_space<hbm>>
      %dma_start3A_881 = tpu.memref_squeeze %dma_start3A_880 : memref<1x512xi32, #tpu.memory_space<hbm>> -> memref<512xi32, #tpu.memory_space<hbm>>
      tpu.enqueue_dma source(%dma_start3A_881 : memref<512xi32, #tpu.memory_space<hbm>>) target(%arg9 : memref<512xi32, #tpu.memory_space<vmem>>) target_semaphore(%run_scoped3A_877 : memref<!tpu.dma_semaphore, #tpu.memory_space<semaphore_mem>>)
      %dma_wait3A_882 = tpu.memref_slice %arg2[%run_scoped3A_4, %mul3A_2] : memref<3x16384xi32, #tpu.memory_space<hbm>> -> memref<1x512xi32, #tpu.memory_space<hbm>>
      %dma_wait3A_883 = tpu.memref_squeeze %dma_wait3A_882 : memref<1x512xi32, #tpu.memory_space<hbm>> -> memref<512xi32, #tpu.memory_space<hbm>>
      %dma_wait3A_884 = tpu.memref_slice %arg2[%run_scoped3A_4, %mul3A_2] : memref<3x16384xi32, #tpu.memory_space<hbm>> -> memref<1x512xi32, #tpu.memory_space<hbm>>
      %dma_wait3A_885 = tpu.memref_squeeze %dma_wait3A_884 : memref<1x512xi32, #tpu.memory_space<hbm>> -> memref<512xi32, #tpu.memory_space<hbm>>
      tpu.wait_dma2 semaphore(%run_scoped3A_877 : memref<!tpu.dma_semaphore, #tpu.memory_space<semaphore_mem>>) src(%dma_wait3A_885 : memref<512xi32, #tpu.memory_space<hbm>>) dst(%arg9 : memref<512xi32, #tpu.memory_space<vmem>>)
      tpu.yield
    }) : () -> ()
    %get3A = arith.constant 0 : index
    %get3A_5 = tpu.vector_load %arg9[%get3A] {strides = array<i32>} : memref<512xi32, #tpu.memory_space<vmem>>, vector<16xi32>,
    %get3A_6 = vector.shape_cast %get3A_5 : vector<16xi32> to vector<16xi32>
    %shift_right_arithmetic3A = arith.constant 13 : i32
    %shift_right_arithmetic3A_7 = vector.broadcast %shift_right_arithmetic3A : i32 to vector<16xi32>
    %shift_right_arithmetic3A_8 = arith.shrsi %get3A_6, %shift_right_arithmetic3A_7 : vector<16xi32>
    %shift_left3A = arith.constant 12 : i32
    %shift_left3A_9 = vector.broadcast %shift_left3A : i32 to vector<16xi32>
    %shift_left3A_10 = arith.shli %shift_right_arithmetic3A_8, %shift_left3A_9 : vector<16xi32>
    %and3A = arith.constant 4095 : i32
    %and3A_11 = vector.broadcast %and3A : i32 to vector<16xi32>
    %and3A_12 = arith.andi %get3A_6, %and3A_11 : vector<16xi32>
    %or3A = arith.ori %shift_left3A_10, %and3A_12 : vector<16xi32>
    %swap3A = arith.constant 0 : index
    %swap3A_13 = tpu.vector_load %arg9[%swap3A] {strides = array<i32>} : memref<512xi32, #tpu.memory_space<vmem>>, vector<16xi32>,
    %swap3A_14 = vector.shape_cast %swap3A_13 : vector<16xi32> to vector<16xi32>
    %swap3A_15 = vector.shape_cast %or3A : vector<16xi32> to vector<16xi32>
    tpu.vector_store %arg9[%swap3A], %swap3A_15 {strides = array<i32>} : memref<512xi32, #tpu.memory_space<vmem>>, vector<16xi32>,
    %get3A_16 = arith.constant 16 : index
    %get3A_17 = tpu.vector_load %arg9[%get3A_16] {strides = array<i32>} : memref<512xi32, #tpu.memory_space<vmem>>, vector<16xi32>,
    %get3A_18 = vector.shape_cast %get3A_17 : vector<16xi32> to vector<16xi32>
    %shift_right_arithmetic3A_19 = arith.constant 13 : i32
    %shift_right_arithmetic3A_20 = vector.broadcast %shift_right_arithmetic3A_19 : i32 to vector<16xi32>
    %shift_right_arithmetic3A_21 = arith.shrsi %get3A_18, %shift_right_arithmetic3A_20 : vector<16xi32>
    %shift_left3A_22 = arith.constant 12 : i32
    %shift_left3A_23 = vector.broadcast %shift_left3A_22 : i32 to vector<16xi32>
    %shift_left3A_24 = arith.shli %shift_right_arithmetic3A_21, %shift_left3A_23 : vector<16xi32>
    %and3A_25 = arith.constant 4095 : i32
    %and3A_26 = vector.broadcast %and3A_25 : i32 to vector<16xi32>
    %and3A_27 = arith.andi %get3A_18, %and3A_26 : vector<16xi32>
    %or3A_28 = arith.ori %shift_left3A_24, %and3A_27 : vector<16xi32>
    %swap3A_29 = arith.constant 16 : index
    %swap3A_30 = tpu.vector_load %arg9[%swap3A_29] {strides = array<i32>} : memref<512xi32, #tpu.memory_space<vmem>>, vector<16xi32>,
    %swap3A_31 = vector.shape_cast %swap3A_30 : vector<16xi32> to vector<16xi32>
    %swap3A_32 = vector.shape_cast %or3A_28 : vector<16xi32> to vector<16xi32>
    tpu.vector_store %arg9[%swap3A_29], %swap3A_32 {strides = array<i32>} : memref<512xi32, #tpu.memory_space<vmem>>, vector<16xi32>,
    %get3A_33 = arith.constant 32 : index
    %get3A_34 = tpu.vector_load %arg9[%get3A_33] {strides = array<i32>} : memref<512xi32, #tpu.memory_space<vmem>>, vector<16xi32>,
    %get3A_35 = vector.shape_cast %get3A_34 : vector<16xi32> to vector<16xi32>
    %shift_right_arithmetic3A_36 = arith.constant 13 : i32
    %shift_right_arithmetic3A_37 = vector.broadcast %shift_right_arithmetic3A_36 : i32 to vector<16xi32>
    %shift_right_arithmetic3A_38 = arith.shrsi %get3A_35, %shift_right_arithmetic3A_37 : vector<16xi32>
    %shift_left3A_39 = arith.constant 12 : i32
    %shift_left3A_40 = vector.broadcast %shift_left3A_39 : i32 to vector<16xi32>
    %shift_left3A_41 = arith.shli %shift_right_arithmetic3A_38, %shift_left3A_40 : vector<16xi32>
    %and3A_42 = arith.constant 4095 : i32
    %and3A_43 = vector.broadcast %and3A_42 : i32 to vector<16xi32>
    %and3A_44 = arith.andi %get3A_35, %and3A_43 : vector<16xi32>
    %or3A_45 = arith.ori %shift_left3A_41, %and3A_44 : vector<16xi32>
    %swap3A_46 = arith.constant 32 : index
    %swap3A_47 = tpu.vector_load %arg9[%swap3A_46] {strides = array<i32>} : memref<512xi32, #tpu.memory_space<vmem>>, vector<16xi32>,
    %swap3A_48 = vector.shape_cast %swap3A_47 : vector<16xi32> to vector<16xi32>
    %swap3A_49 = vector.shape_cast %or3A_45 : vector<16xi32> to vector<16xi32>
    tpu.vector_store %arg9[%swap3A_46], %swap3A_49 {strides = array<i32>} : memref<512xi32, #tpu.memory_space<vmem>>, vector<16xi32>,
    %get3A_50 = arith.constant 48 : index
    %get3A_51 = tpu.vector_load %arg9[%get3A_50] {strides = array<i32>} : memref<512xi32, #tpu.memory_space<vmem>>, vector<16xi32>,
    %get3A_52 = vector.shape_cast %get3A_51 : vector<16xi32> to vector<16xi32>
    %shift_right_arithmetic3A_53 = arith.constant 13 : i32
    %shift_right_arithmetic3A_54 = vector.broadcast %shift_right_arithmetic3A_53 : i32 to vector<16xi32>
    %shift_right_arithmetic3A_55 = arith.shrsi %get3A_52, %shift_right_arithmetic3A_54 : vector<16xi32>
    %shift_left3A_56 = arith.constant 12 : i32
    %shift_left3A_57 = vector.broadcast %shift_left3A_56 : i32 to vector<16xi32>
    %shift_left3A_58 = arith.shli %shift_right_arithmetic3A_55, %shift_left3A_57 : vector<16xi32>
    %and3A_59 = arith.constant 4095 : i32
    %and3A_60 = vector.broadcast %and3A_59 : i32 to vector<16xi32>
    %and3A_61 = arith.andi %get3A_52, %and3A_60 : vector<16xi32>
    %or3A_62 = arith.ori %shift_left3A_58, %and3A_61 : vector<16xi32>
    %swap3A_63 = arith.constant 48 : index
    %swap3A_64 = tpu.vector_load %arg9[%swap3A_63] {strides = array<i32>} : memref<512xi32, #tpu.memory_space<vmem>>, vector<16xi32>,
    %swap3A_65 = vector.shape_cast %swap3A_64 : vector<16xi32> to vector<16xi32>
    %swap3A_66 = vector.shape_cast %or3A_62 : vector<16xi32> to vector<16xi32>
    tpu.vector_store %arg9[%swap3A_63], %swap3A_66 {strides = array<i32>} : memref<512xi32, #tpu.memory_space<vmem>>, vector<16xi32>,
    %get3A_67 = arith.constant 64 : index
    %get3A_68 = tpu.vector_load %arg9[%get3A_67] {strides = array<i32>} : memref<512xi32, #tpu.memory_space<vmem>>, vector<16xi32>,
    %get3A_69 = vector.shape_cast %get3A_68 : vector<16xi32> to vector<16xi32>
    %shift_right_arithmetic3A_70 = arith.constant 13 : i32
    %shift_right_arithmetic3A_71 = vector.broadcast %shift_right_arithmetic3A_70 : i32 to vector<16xi32>
    %shift_right_arithmetic3A_72 = arith.shrsi %get3A_69, %shift_right_arithmetic3A_71 : vector<16xi32>
    %shift_left3A_73 = arith.constant 12 : i32
    %shift_left3A_74 = vector.broadcast %shift_left3A_73 : i32 to vector<16xi32>
    %shift_left3A_75 = arith.shli %shift_right_arithmetic3A_72, %shift_left3A_74 : vector<16xi32>
    %and3A_76 = arith.constant 4095 : i32
    %and3A_77 = vector.broadcast %and3A_76 : i32 to vector<16xi32>
    %and3A_78 = arith.andi %get3A_69, %and3A_77 : vector<16xi32>
    %or3A_79 = arith.ori %shift_left3A_75, %and3A_78 : vector<16xi32>
    %swap3A_80 = arith.constant 64 : index
    %swap3A_81 = tpu.vector_load %arg9[%swap3A_80] {strides = array<i32>} : memref<512xi32, #tpu.memory_space<vmem>>, vector<16xi32>,
    %swap3A_82 = vector.shape_cast %swap3A_81 : vector<16xi32> to vector<16xi32>
    %swap3A_83 = vector.shape_cast %or3A_79 : vector<16xi32> to vector<16xi32>
    tpu.vector_store %arg9[%swap3A_80], %swap3A_83 {strides = array<i32>} : memref<512xi32, #tpu.memory_space<vmem>>, vector<16xi32>,
    %get3A_84 = arith.constant 80 : index
    %get3A_85 = tpu.vector_load %arg9[%get3A_84] {strides = array<i32>} : memref<512xi32, #tpu.memory_space<vmem>>, vector<16xi32>,
    %get3A_86 = vector.shape_cast %get3A_85 : vector<16xi32> to vector<16xi32>
    %shift_right_arithmetic3A_87 = arith.constant 13 : i32
    %shift_right_arithmetic3A_88 = vector.broadcast %shift_right_arithmetic3A_87 : i32 to vector<16xi32>
    %shift_right_arithmetic3A_89 = arith.shrsi %get3A_86, %shift_right_arithmetic3A_88 : vector<16xi32>
    %shift_left3A_90 = arith.constant 12 : i32
    %shift_left3A_91 = vector.broadcast %shift_left3A_90 : i32 to vector<16xi32>
    %shift_left3A_92 = arith.shli %shift_right_arithmetic3A_89, %shift_left3A_91 : vector<16xi32>
    %and3A_93 = arith.constant 4095 : i32
    %and3A_94 = vector.broadcast %and3A_93 : i32 to vector<16xi32>
    %and3A_95 = arith.andi %get3A_86, %and3A_94 : vector<16xi32>
    %or3A_96 = arith.ori %shift_left3A_92, %and3A_95 : vector<16xi32>
    %swap3A_97 = arith.constant 80 : index
    %swap3A_98 = tpu.vector_load %arg9[%swap3A_97] {strides = array<i32>} : memref<512xi32, #tpu.memory_space<vmem>>, vector<16xi32>,
    %swap3A_99 = vector.shape_cast %swap3A_98 : vector<16xi32> to vector<16xi32>
    %swap3A_100 = vector.shape_cast %or3A_96 : vector<16xi32> to vector<16xi32>
    tpu.vector_store %arg9[%swap3A_97], %swap3A_100 {strides = array<i32>} : memref<512xi32, #tpu.memory_space<vmem>>, vector<16xi32>,
    %get3A_101 = arith.constant 96 : index
    %get3A_102 = tpu.vector_load %arg9[%get3A_101] {strides = array<i32>} : memref<512xi32, #tpu.memory_space<vmem>>, vector<16xi32>,
    %get3A_103 = vector.shape_cast %get3A_102 : vector<16xi32> to vector<16xi32>
    %shift_right_arithmetic3A_104 = arith.constant 13 : i32
    %shift_right_arithmetic3A_105 = vector.broadcast %shift_right_arithmetic3A_104 : i32 to vector<16xi32>
    %shift_right_arithmetic3A_106 = arith.shrsi %get3A_103, %shift_right_arithmetic3A_105 : vector<16xi32>
    %shift_left3A_107 = arith.constant 12 : i32
    %shift_left3A_108 = vector.broadcast %shift_left3A_107 : i32 to vector<16xi32>
    %shift_left3A_109 = arith.shli %shift_right_arithmetic3A_106, %shift_left3A_108 : vector<16xi32>
    %and3A_110 = arith.constant 4095 : i32
    %and3A_111 = vector.broadcast %and3A_110 : i32 to vector<16xi32>
    %and3A_112 = arith.andi %get3A_103, %and3A_111 : vector<16xi32>
    %or3A_113 = arith.ori %shift_left3A_109, %and3A_112 : vector<16xi32>
    %swap3A_114 = arith.constant 96 : index
    %swap3A_115 = tpu.vector_load %arg9[%swap3A_114] {strides = array<i32>} : memref<512xi32, #tpu.memory_space<vmem>>, vector<16xi32>,
    %swap3A_116 = vector.shape_cast %swap3A_115 : vector<16xi32> to vector<16xi32>
    %swap3A_117 = vector.shape_cast %or3A_113 : vector<16xi32> to vector<16xi32>
    tpu.vector_store %arg9[%swap3A_114], %swap3A_117 {strides = array<i32>} : memref<512xi32, #tpu.memory_space<vmem>>, vector<16xi32>,
    %get3A_118 = arith.constant 112 : index
    %get3A_119 = tpu.vector_load %arg9[%get3A_118] {strides = array<i32>} : memref<512xi32, #tpu.memory_space<vmem>>, vector<16xi32>,
    %get3A_120 = vector.shape_cast %get3A_119 : vector<16xi32> to vector<16xi32>
    %shift_right_arithmetic3A_121 = arith.constant 13 : i32
    %shift_right_arithmetic3A_122 = vector.broadcast %shift_right_arithmetic3A_121 : i32 to vector<16xi32>
    %shift_right_arithmetic3A_123 = arith.shrsi %get3A_120, %shift_right_arithmetic3A_122 : vector<16xi32>
    %shift_left3A_124 = arith.constant 12 : i32
    %shift_left3A_125 = vector.broadcast %shift_left3A_124 : i32 to vector<16xi32>
    %shift_left3A_126 = arith.shli %shift_right_arithmetic3A_123, %shift_left3A_125 : vector<16xi32>
    %and3A_127 = arith.constant 4095 : i32
    %and3A_128 = vector.broadcast %and3A_127 : i32 to vector<16xi32>
    %and3A_129 = arith.andi %get3A_120, %and3A_128 : vector<16xi32>
    %or3A_130 = arith.ori %shift_left3A_126, %and3A_129 : vector<16xi32>
    %swap3A_131 = arith.constant 112 : index
    %swap3A_132 = tpu.vector_load %arg9[%swap3A_131] {strides = array<i32>} : memref<512xi32, #tpu.memory_space<vmem>>, vector<16xi32>,
    %swap3A_133 = vector.shape_cast %swap3A_132 : vector<16xi32> to vector<16xi32>
    %swap3A_134 = vector.shape_cast %or3A_130 : vector<16xi32> to vector<16xi32>
    tpu.vector_store %arg9[%swap3A_131], %swap3A_134 {strides = array<i32>} : memref<512xi32, #tpu.memory_space<vmem>>, vector<16xi32>,
    %get3A_135 = arith.constant 128 : index
    %get3A_136 = tpu.vector_load %arg9[%get3A_135] {strides = array<i32>} : memref<512xi32, #tpu.memory_space<vmem>>, vector<16xi32>,
    %get3A_137 = vector.shape_cast %get3A_136 : vector<16xi32> to vector<16xi32>
    %shift_right_arithmetic3A_138 = arith.constant 13 : i32
    %shift_right_arithmetic3A_139 = vector.broadcast %shift_right_arithmetic3A_138 : i32 to vector<16xi32>
    %shift_right_arithmetic3A_140 = arith.shrsi %get3A_137, %shift_right_arithmetic3A_139 : vector<16xi32>
    %shift_left3A_141 = arith.constant 12 : i32
    %shift_left3A_142 = vector.broadcast %shift_left3A_141 : i32 to vector<16xi32>
    %shift_left3A_143 = arith.shli %shift_right_arithmetic3A_140, %shift_left3A_142 : vector<16xi32>
    %and3A_144 = arith.constant 4095 : i32
    %and3A_145 = vector.broadcast %and3A_144 : i32 to vector<16xi32>
    %and3A_146 = arith.andi %get3A_137, %and3A_145 : vector<16xi32>
    %or3A_147 = arith.ori %shift_left3A_143, %and3A_146 : vector<16xi32>
    %swap3A_148 = arith.constant 128 : index
    %swap3A_149 = tpu.vector_load %arg9[%swap3A_148] {strides = array<i32>} : memref<512xi32, #tpu.memory_space<vmem>>, vector<16xi32>,
    %swap3A_150 = vector.shape_cast %swap3A_149 : vector<16xi32> to vector<16xi32>
    %swap3A_151 = vector.shape_cast %or3A_147 : vector<16xi32> to vector<16xi32>
    tpu.vector_store %arg9[%swap3A_148], %swap3A_151 {strides = array<i32>} : memref<512xi32, #tpu.memory_space<vmem>>, vector<16xi32>,
    %get3A_152 = arith.constant 144 : index
    %get3A_153 = tpu.vector_load %arg9[%get3A_152] {strides = array<i32>} : memref<512xi32, #tpu.memory_space<vmem>>, vector<16xi32>,
    %get3A_154 = vector.shape_cast %get3A_153 : vector<16xi32> to vector<16xi32>
    %shift_right_arithmetic3A_155 = arith.constant 13 : i32
    %shift_right_arithmetic3A_156 = vector.broadcast %shift_right_arithmetic3A_155 : i32 to vector<16xi32>
    %shift_right_arithmetic3A_157 = arith.shrsi %get3A_154, %shift_right_arithmetic3A_156 : vector<16xi32>
    %shift_left3A_158 = arith.constant 12 : i32
    %shift_left3A_159 = vector.broadcast %shift_left3A_158 : i32 to vector<16xi32>
    %shift_left3A_160 = arith.shli %shift_right_arithmetic3A_157, %shift_left3A_159 : vector<16xi32>
    %and3A_161 = arith.constant 4095 : i32
    %and3A_162 = vector.broadcast %and3A_161 : i32 to vector<16xi32>
    %and3A_163 = arith.andi %get3A_154, %and3A_162 : vector<16xi32>
    %or3A_164 = arith.ori %shift_left3A_160, %and3A_163 : vector<16xi32>
    %swap3A_165 = arith.constant 144 : index
    %swap3A_166 = tpu.vector_load %arg9[%swap3A_165] {strides = array<i32>} : memref<512xi32, #tpu.memory_space<vmem>>, vector<16xi32>,
    %swap3A_167 = vector.shape_cast %swap3A_166 : vector<16xi32> to vector<16xi32>
    %swap3A_168 = vector.shape_cast %or3A_164 : vector<16xi32> to vector<16xi32>
    tpu.vector_store %arg9[%swap3A_165], %swap3A_168 {strides = array<i32>} : memref<512xi32, #tpu.memory_space<vmem>>, vector<16xi32>,
    %get3A_169 = arith.constant 160 : index
    %get3A_170 = tpu.vector_load %arg9[%get3A_169] {strides = array<i32>} : memref<512xi32, #tpu.memory_space<vmem>>, vector<16xi32>,
    %get3A_171 = vector.shape_cast %get3A_170 : vector<16xi32> to vector<16xi32>
    %shift_right_arithmetic3A_172 = arith.constant 13 : i32
    %shift_right_arithmetic3A_173 = vector.broadcast %shift_right_arithmetic3A_172 : i32 to vector<16xi32>
    %shift_right_arithmetic3A_174 = arith.shrsi %get3A_171, %shift_right_arithmetic3A_173 : vector<16xi32>
    %shift_left3A_175 = arith.constant 12 : i32
    %shift_left3A_176 = vector.broadcast %shift_left3A_175 : i32 to vector<16xi32>
    %shift_left3A_177 = arith.shli %shift_right_arithmetic3A_174, %shift_left3A_176 : vector<16xi32>
    %and3A_178 = arith.constant 4095 : i32
    %and3A_179 = vector.broadcast %and3A_178 : i32 to vector<16xi32>
    %and3A_180 = arith.andi %get3A_171, %and3A_179 : vector<16xi32>
    %or3A_181 = arith.ori %shift_left3A_177, %and3A_180 : vector<16xi32>
    %swap3A_182 = arith.constant 160 : index
    %swap3A_183 = tpu.vector_load %arg9[%swap3A_182] {strides = array<i32>} : memref<512xi32, #tpu.memory_space<vmem>>, vector<16xi32>,
    %swap3A_184 = vector.shape_cast %swap3A_183 : vector<16xi32> to vector<16xi32>
    %swap3A_185 = vector.shape_cast %or3A_181 : vector<16xi32> to vector<16xi32>
    tpu.vector_store %arg9[%swap3A_182], %swap3A_185 {strides = array<i32>} : memref<512xi32, #tpu.memory_space<vmem>>, vector<16xi32>,
    %get3A_186 = arith.constant 176 : index
    %get3A_187 = tpu.vector_load %arg9[%get3A_186] {strides = array<i32>} : memref<512xi32, #tpu.memory_space<vmem>>, vector<16xi32>,
    %get3A_188 = vector.shape_cast %get3A_187 : vector<16xi32> to vector<16xi32>
    %shift_right_arithmetic3A_189 = arith.constant 13 : i32
    %shift_right_arithmetic3A_190 = vector.broadcast %shift_right_arithmetic3A_189 : i32 to vector<16xi32>
    %shift_right_arithmetic3A_191 = arith.shrsi %get3A_188, %shift_right_arithmetic3A_190 : vector<16xi32>
    %shift_left3A_192 = arith.constant 12 : i32
    %shift_left3A_193 = vector.broadcast %shift_left3A_192 : i32 to vector<16xi32>
    %shift_left3A_194 = arith.shli %shift_right_arithmetic3A_191, %shift_left3A_193 : vector<16xi32>
    %and3A_195 = arith.constant 4095 : i32
    %and3A_196 = vector.broadcast %and3A_195 : i32 to vector<16xi32>
    %and3A_197 = arith.andi %get3A_188, %and3A_196 : vector<16xi32>
    %or3A_198 = arith.ori %shift_left3A_194, %and3A_197 : vector<16xi32>
    %swap3A_199 = arith.constant 176 : index
    %swap3A_200 = tpu.vector_load %arg9[%swap3A_199] {strides = array<i32>} : memref<512xi32, #tpu.memory_space<vmem>>, vector<16xi32>,
    %swap3A_201 = vector.shape_cast %swap3A_200 : vector<16xi32> to vector<16xi32>
    %swap3A_202 = vector.shape_cast %or3A_198 : vector<16xi32> to vector<16xi32>
    tpu.vector_store %arg9[%swap3A_199], %swap3A_202 {strides = array<i32>} : memref<512xi32, #tpu.memory_space<vmem>>, vector<16xi32>,
    %get3A_203 = arith.constant 192 : index
    %get3A_204 = tpu.vector_load %arg9[%get3A_203] {strides = array<i32>} : memref<512xi32, #tpu.memory_space<vmem>>, vector<16xi32>,
    %get3A_205 = vector.shape_cast %get3A_204 : vector<16xi32> to vector<16xi32>
    %shift_right_arithmetic3A_206 = arith.constant 13 : i32
    %shift_right_arithmetic3A_207 = vector.broadcast %shift_right_arithmetic3A_206 : i32 to vector<16xi32>
    %shift_right_arithmetic3A_208 = arith.shrsi %get3A_205, %shift_right_arithmetic3A_207 : vector<16xi32>
    %shift_left3A_209 = arith.constant 12 : i32
    %shift_left3A_210 = vector.broadcast %shift_left3A_209 : i32 to vector<16xi32>
    %shift_left3A_211 = arith.shli %shift_right_arithmetic3A_208, %shift_left3A_210 : vector<16xi32>
    %and3A_212 = arith.constant 4095 : i32
    %and3A_213 = vector.broadcast %and3A_212 : i32 to vector<16xi32>
    %and3A_214 = arith.andi %get3A_205, %and3A_213 : vector<16xi32>
    %or3A_215 = arith.ori %shift_left3A_211, %and3A_214 : vector<16xi32>
    %swap3A_216 = arith.constant 192 : index
    %swap3A_217 = tpu.vector_load %arg9[%swap3A_216] {strides = array<i32>} : memref<512xi32, #tpu.memory_space<vmem>>, vector<16xi32>,
    %swap3A_218 = vector.shape_cast %swap3A_217 : vector<16xi32> to vector<16xi32>
    %swap3A_219 = vector.shape_cast %or3A_215 : vector<16xi32> to vector<16xi32>
    tpu.vector_store %arg9[%swap3A_216], %swap3A_219 {strides = array<i32>} : memref<512xi32, #tpu.memory_space<vmem>>, vector<16xi32>,
    %get3A_220 = arith.constant 208 : index
    %get3A_221 = tpu.vector_load %arg9[%get3A_220] {strides = array<i32>} : memref<512xi32, #tpu.memory_space<vmem>>, vector<16xi32>,
    %get3A_222 = vector.shape_cast %get3A_221 : vector<16xi32> to vector<16xi32>
    %shift_right_arithmetic3A_223 = arith.constant 13 : i32
    %shift_right_arithmetic3A_224 = vector.broadcast %shift_right_arithmetic3A_223 : i32 to vector<16xi32>
    %shift_right_arithmetic3A_225 = arith.shrsi %get3A_222, %shift_right_arithmetic3A_224 : vector<16xi32>
    %shift_left3A_226 = arith.constant 12 : i32
    %shift_left3A_227 = vector.broadcast %shift_left3A_226 : i32 to vector<16xi32>
    %shift_left3A_228 = arith.shli %shift_right_arithmetic3A_225, %shift_left3A_227 : vector<16xi32>
    %and3A_229 = arith.constant 4095 : i32
    %and3A_230 = vector.broadcast %and3A_229 : i32 to vector<16xi32>
    %and3A_231 = arith.andi %get3A_222, %and3A_230 : vector<16xi32>
    %or3A_232 = arith.ori %shift_left3A_228, %and3A_231 : vector<16xi32>
    %swap3A_233 = arith.constant 208 : index
    %swap3A_234 = tpu.vector_load %arg9[%swap3A_233] {strides = array<i32>} : memref<512xi32, #tpu.memory_space<vmem>>, vector<16xi32>,
    %swap3A_235 = vector.shape_cast %swap3A_234 : vector<16xi32> to vector<16xi32>
    %swap3A_236 = vector.shape_cast %or3A_232 : vector<16xi32> to vector<16xi32>
    tpu.vector_store %arg9[%swap3A_233], %swap3A_236 {strides = array<i32>} : memref<512xi32, #tpu.memory_space<vmem>>, vector<16xi32>,
    %get3A_237 = arith.constant 224 : index
    %get3A_238 = tpu.vector_load %arg9[%get3A_237] {strides = array<i32>} : memref<512xi32, #tpu.memory_space<vmem>>, vector<16xi32>,
    %get3A_239 = vector.shape_cast %get3A_238 : vector<16xi32> to vector<16xi32>
    %shift_right_arithmetic3A_240 = arith.constant 13 : i32
    %shift_right_arithmetic3A_241 = vector.broadcast %shift_right_arithmetic3A_240 : i32 to vector<16xi32>
    %shift_right_arithmetic3A_242 = arith.shrsi %get3A_239, %shift_right_arithmetic3A_241 : vector<16xi32>
    %shift_left3A_243 = arith.constant 12 : i32
    %shift_left3A_244 = vector.broadcast %shift_left3A_243 : i32 to vector<16xi32>
    %shift_left3A_245 = arith.shli %shift_right_arithmetic3A_242, %shift_left3A_244 : vector<16xi32>
    %and3A_246 = arith.constant 4095 : i32
    %and3A_247 = vector.broadcast %and3A_246 : i32 to vector<16xi32>
    %and3A_248 = arith.andi %get3A_239, %and3A_247 : vector<16xi32>
    %or3A_249 = arith.ori %shift_left3A_245, %and3A_248 : vector<16xi32>
    %swap3A_250 = arith.constant 224 : index
    %swap3A_251 = tpu.vector_load %arg9[%swap3A_250] {strides = array<i32>} : memref<512xi32, #tpu.memory_space<vmem>>, vector<16xi32>,
    %swap3A_252 = vector.shape_cast %swap3A_251 : vector<16xi32> to vector<16xi32>
    %swap3A_253 = vector.shape_cast %or3A_249 : vector<16xi32> to vector<16xi32>
    tpu.vector_store %arg9[%swap3A_250], %swap3A_253 {strides = array<i32>} : memref<512xi32, #tpu.memory_space<vmem>>, vector<16xi32>,
    %get3A_254 = arith.constant 240 : index
    %get3A_255 = tpu.vector_load %arg9[%get3A_254] {strides = array<i32>} : memref<512xi32, #tpu.memory_space<vmem>>, vector<16xi32>,
    %get3A_256 = vector.shape_cast %get3A_255 : vector<16xi32> to vector<16xi32>
    %shift_right_arithmetic3A_257 = arith.constant 13 : i32
    %shift_right_arithmetic3A_258 = vector.broadcast %shift_right_arithmetic3A_257 : i32 to vector<16xi32>
    %shift_right_arithmetic3A_259 = arith.shrsi %get3A_256, %shift_right_arithmetic3A_258 : vector<16xi32>
    %shift_left3A_260 = arith.constant 12 : i32
    %shift_left3A_261 = vector.broadcast %shift_left3A_260 : i32 to vector<16xi32>
    %shift_left3A_262 = arith.shli %shift_right_arithmetic3A_259, %shift_left3A_261 : vector<16xi32>
    %and3A_263 = arith.constant 4095 : i32
    %and3A_264 = vector.broadcast %and3A_263 : i32 to vector<16xi32>
    %and3A_265 = arith.andi %get3A_256, %and3A_264 : vector<16xi32>
    %or3A_266 = arith.ori %shift_left3A_262, %and3A_265 : vector<16xi32>
    %swap3A_267 = arith.constant 240 : index
    %swap3A_268 = tpu.vector_load %arg9[%swap3A_267] {strides = array<i32>} : memref<512xi32, #tpu.memory_space<vmem>>, vector<16xi32>,
    %swap3A_269 = vector.shape_cast %swap3A_268 : vector<16xi32> to vector<16xi32>
    %swap3A_270 = vector.shape_cast %or3A_266 : vector<16xi32> to vector<16xi32>
    tpu.vector_store %arg9[%swap3A_267], %swap3A_270 {strides = array<i32>} : memref<512xi32, #tpu.memory_space<vmem>>, vector<16xi32>,
    %get3A_271 = arith.constant 256 : index
    %get3A_272 = tpu.vector_load %arg9[%get3A_271] {strides = array<i32>} : memref<512xi32, #tpu.memory_space<vmem>>, vector<16xi32>,
    %get3A_273 = vector.shape_cast %get3A_272 : vector<16xi32> to vector<16xi32>
    %shift_right_arithmetic3A_274 = arith.constant 13 : i32
    %shift_right_arithmetic3A_275 = vector.broadcast %shift_right_arithmetic3A_274 : i32 to vector<16xi32>
    %shift_right_arithmetic3A_276 = arith.shrsi %get3A_273, %shift_right_arithmetic3A_275 : vector<16xi32>
    %shift_left3A_277 = arith.constant 12 : i32
    %shift_left3A_278 = vector.broadcast %shift_left3A_277 : i32 to vector<16xi32>
    %shift_left3A_279 = arith.shli %shift_right_arithmetic3A_276, %shift_left3A_278 : vector<16xi32>
    %and3A_280 = arith.constant 4095 : i32
    %and3A_281 = vector.broadcast %and3A_280 : i32 to vector<16xi32>
    %and3A_282 = arith.andi %get3A_273, %and3A_281 : vector<16xi32>
    %or3A_283 = arith.ori %shift_left3A_279, %and3A_282 : vector<16xi32>
    %swap3A_284 = arith.constant 256 : index
    %swap3A_285 = tpu.vector_load %arg9[%swap3A_284] {strides = array<i32>} : memref<512xi32, #tpu.memory_space<vmem>>, vector<16xi32>,
    %swap3A_286 = vector.shape_cast %swap3A_285 : vector<16xi32> to vector<16xi32>
    %swap3A_287 = vector.shape_cast %or3A_283 : vector<16xi32> to vector<16xi32>
    tpu.vector_store %arg9[%swap3A_284], %swap3A_287 {strides = array<i32>} : memref<512xi32, #tpu.memory_space<vmem>>, vector<16xi32>,
    %get3A_288 = arith.constant 272 : index
    %get3A_289 = tpu.vector_load %arg9[%get3A_288] {strides = array<i32>} : memref<512xi32, #tpu.memory_space<vmem>>, vector<16xi32>,
    %get3A_290 = vector.shape_cast %get3A_289 : vector<16xi32> to vector<16xi32>
    %shift_right_arithmetic3A_291 = arith.constant 13 : i32
    %shift_right_arithmetic3A_292 = vector.broadcast %shift_right_arithmetic3A_291 : i32 to vector<16xi32>
    %shift_right_arithmetic3A_293 = arith.shrsi %get3A_290, %shift_right_arithmetic3A_292 : vector<16xi32>
    %shift_left3A_294 = arith.constant 12 : i32
    %shift_left3A_295 = vector.broadcast %shift_left3A_294 : i32 to vector<16xi32>
    %shift_left3A_296 = arith.shli %shift_right_arithmetic3A_293, %shift_left3A_295 : vector<16xi32>
    %and3A_297 = arith.constant 4095 : i32
    %and3A_298 = vector.broadcast %and3A_297 : i32 to vector<16xi32>
    %and3A_299 = arith.andi %get3A_290, %and3A_298 : vector<16xi32>
    %or3A_300 = arith.ori %shift_left3A_296, %and3A_299 : vector<16xi32>
    %swap3A_301 = arith.constant 272 : index
    %swap3A_302 = tpu.vector_load %arg9[%swap3A_301] {strides = array<i32>} : memref<512xi32, #tpu.memory_space<vmem>>, vector<16xi32>,
    %swap3A_303 = vector.shape_cast %swap3A_302 : vector<16xi32> to vector<16xi32>
    %swap3A_304 = vector.shape_cast %or3A_300 : vector<16xi32> to vector<16xi32>
    tpu.vector_store %arg9[%swap3A_301], %swap3A_304 {strides = array<i32>} : memref<512xi32, #tpu.memory_space<vmem>>, vector<16xi32>,
    %get3A_305 = arith.constant 288 : index
    %get3A_306 = tpu.vector_load %arg9[%get3A_305] {strides = array<i32>} : memref<512xi32, #tpu.memory_space<vmem>>, vector<16xi32>,
    %get3A_307 = vector.shape_cast %get3A_306 : vector<16xi32> to vector<16xi32>
    %shift_right_arithmetic3A_308 = arith.constant 13 : i32
    %shift_right_arithmetic3A_309 = vector.broadcast %shift_right_arithmetic3A_308 : i32 to vector<16xi32>
    %shift_right_arithmetic3A_310 = arith.shrsi %get3A_307, %shift_right_arithmetic3A_309 : vector<16xi32>
    %shift_left3A_311 = arith.constant 12 : i32
    %shift_left3A_312 = vector.broadcast %shift_left3A_311 : i32 to vector<16xi32>
    %shift_left3A_313 = arith.shli %shift_right_arithmetic3A_310, %shift_left3A_312 : vector<16xi32>
    %and3A_314 = arith.constant 4095 : i32
    %and3A_315 = vector.broadcast %and3A_314 : i32 to vector<16xi32>
    %and3A_316 = arith.andi %get3A_307, %and3A_315 : vector<16xi32>
    %or3A_317 = arith.ori %shift_left3A_313, %and3A_316 : vector<16xi32>
    %swap3A_318 = arith.constant 288 : index
    %swap3A_319 = tpu.vector_load %arg9[%swap3A_318] {strides = array<i32>} : memref<512xi32, #tpu.memory_space<vmem>>, vector<16xi32>,
    %swap3A_320 = vector.shape_cast %swap3A_319 : vector<16xi32> to vector<16xi32>
    %swap3A_321 = vector.shape_cast %or3A_317 : vector<16xi32> to vector<16xi32>
    tpu.vector_store %arg9[%swap3A_318], %swap3A_321 {strides = array<i32>} : memref<512xi32, #tpu.memory_space<vmem>>, vector<16xi32>,
    %get3A_322 = arith.constant 304 : index
    %get3A_323 = tpu.vector_load %arg9[%get3A_322] {strides = array<i32>} : memref<512xi32, #tpu.memory_space<vmem>>, vector<16xi32>,
    %get3A_324 = vector.shape_cast %get3A_323 : vector<16xi32> to vector<16xi32>
    %shift_right_arithmetic3A_325 = arith.constant 13 : i32
    %shift_right_arithmetic3A_326 = vector.broadcast %shift_right_arithmetic3A_325 : i32 to vector<16xi32>
    %shift_right_arithmetic3A_327 = arith.shrsi %get3A_324, %shift_right_arithmetic3A_326 : vector<16xi32>
    %shift_left3A_328 = arith.constant 12 : i32
    %shift_left3A_329 = vector.broadcast %shift_left3A_328 : i32 to vector<16xi32>
    %shift_left3A_330 = arith.shli %shift_right_arithmetic3A_327, %shift_left3A_329 : vector<16xi32>
    %and3A_331 = arith.constant 4095 : i32
    %and3A_332 = vector.broadcast %and3A_331 : i32 to vector<16xi32>
    %and3A_333 = arith.andi %get3A_324, %and3A_332 : vector<16xi32>
    %or3A_334 = arith.ori %shift_left3A_330, %and3A_333 : vector<16xi32>
    %swap3A_335 = arith.constant 304 : index
    %swap3A_336 = tpu.vector_load %arg9[%swap3A_335] {strides = array<i32>} : memref<512xi32, #tpu.memory_space<vmem>>, vector<16xi32>,
    %swap3A_337 = vector.shape_cast %swap3A_336 : vector<16xi32> to vector<16xi32>
    %swap3A_338 = vector.shape_cast %or3A_334 : vector<16xi32> to vector<16xi32>
    tpu.vector_store %arg9[%swap3A_335], %swap3A_338 {strides = array<i32>} : memref<512xi32, #tpu.memory_space<vmem>>, vector<16xi32>,
    %get3A_339 = arith.constant 320 : index
    %get3A_340 = tpu.vector_load %arg9[%get3A_339] {strides = array<i32>} : memref<512xi32, #tpu.memory_space<vmem>>, vector<16xi32>,
    %get3A_341 = vector.shape_cast %get3A_340 : vector<16xi32> to vector<16xi32>
    %shift_right_arithmetic3A_342 = arith.constant 13 : i32
    %shift_right_arithmetic3A_343 = vector.broadcast %shift_right_arithmetic3A_342 : i32 to vector<16xi32>
    %shift_right_arithmetic3A_344 = arith.shrsi %get3A_341, %shift_right_arithmetic3A_343 : vector<16xi32>
    %shift_left3A_345 = arith.constant 12 : i32
    %shift_left3A_346 = vector.broadcast %shift_left3A_345 : i32 to vector<16xi32>
    %shift_left3A_347 = arith.shli %shift_right_arithmetic3A_344, %shift_left3A_346 : vector<16xi32>
    %and3A_348 = arith.constant 4095 : i32
    %and3A_349 = vector.broadcast %and3A_348 : i32 to vector<16xi32>
    %and3A_350 = arith.andi %get3A_341, %and3A_349 : vector<16xi32>
    %or3A_351 = arith.ori %shift_left3A_347, %and3A_350 : vector<16xi32>
    %swap3A_352 = arith.constant 320 : index
    %swap3A_353 = tpu.vector_load %arg9[%swap3A_352] {strides = array<i32>} : memref<512xi32, #tpu.memory_space<vmem>>, vector<16xi32>,
    %swap3A_354 = vector.shape_cast %swap3A_353 : vector<16xi32> to vector<16xi32>
    %swap3A_355 = vector.shape_cast %or3A_351 : vector<16xi32> to vector<16xi32>
    tpu.vector_store %arg9[%swap3A_352], %swap3A_355 {strides = array<i32>} : memref<512xi32, #tpu.memory_space<vmem>>, vector<16xi32>,
    %get3A_356 = arith.constant 336 : index
    %get3A_357 = tpu.vector_load %arg9[%get3A_356] {strides = array<i32>} : memref<512xi32, #tpu.memory_space<vmem>>, vector<16xi32>,
    %get3A_358 = vector.shape_cast %get3A_357 : vector<16xi32> to vector<16xi32>
    %shift_right_arithmetic3A_359 = arith.constant 13 : i32
    %shift_right_arithmetic3A_360 = vector.broadcast %shift_right_arithmetic3A_359 : i32 to vector<16xi32>
    %shift_right_arithmetic3A_361 = arith.shrsi %get3A_358, %shift_right_arithmetic3A_360 : vector<16xi32>
    %shift_left3A_362 = arith.constant 12 : i32
    %shift_left3A_363 = vector.broadcast %shift_left3A_362 : i32 to vector<16xi32>
    %shift_left3A_364 = arith.shli %shift_right_arithmetic3A_361, %shift_left3A_363 : vector<16xi32>
    %and3A_365 = arith.constant 4095 : i32
    %and3A_366 = vector.broadcast %and3A_365 : i32 to vector<16xi32>
    %and3A_367 = arith.andi %get3A_358, %and3A_366 : vector<16xi32>
    %or3A_368 = arith.ori %shift_left3A_364, %and3A_367 : vector<16xi32>
    %swap3A_369 = arith.constant 336 : index
    %swap3A_370 = tpu.vector_load %arg9[%swap3A_369] {strides = array<i32>} : memref<512xi32, #tpu.memory_space<vmem>>, vector<16xi32>,
    %swap3A_371 = vector.shape_cast %swap3A_370 : vector<16xi32> to vector<16xi32>
    %swap3A_372 = vector.shape_cast %or3A_368 : vector<16xi32> to vector<16xi32>
    tpu.vector_store %arg9[%swap3A_369], %swap3A_372 {strides = array<i32>} : memref<512xi32, #tpu.memory_space<vmem>>, vector<16xi32>,
    %get3A_373 = arith.constant 352 : index
    %get3A_374 = tpu.vector_load %arg9[%get3A_373] {strides = array<i32>} : memref<512xi32, #tpu.memory_space<vmem>>, vector<16xi32>,
    %get3A_375 = vector.shape_cast %get3A_374 : vector<16xi32> to vector<16xi32>
    %shift_right_arithmetic3A_376 = arith.constant 13 : i32
    %shift_right_arithmetic3A_377 = vector.broadcast %shift_right_arithmetic3A_376 : i32 to vector<16xi32>
    %shift_right_arithmetic3A_378 = arith.shrsi %get3A_375, %shift_right_arithmetic3A_377 : vector<16xi32>
    %shift_left3A_379 = arith.constant 12 : i32
    %shift_left3A_380 = vector.broadcast %shift_left3A_379 : i32 to vector<16xi32>
    %shift_left3A_381 = arith.shli %shift_right_arithmetic3A_378, %shift_left3A_380 : vector<16xi32>
    %and3A_382 = arith.constant 4095 : i32
    %and3A_383 = vector.broadcast %and3A_382 : i32 to vector<16xi32>
    %and3A_384 = arith.andi %get3A_375, %and3A_383 : vector<16xi32>
    %or3A_385 = arith.ori %shift_left3A_381, %and3A_384 : vector<16xi32>
    %swap3A_386 = arith.constant 352 : index
    %swap3A_387 = tpu.vector_load %arg9[%swap3A_386] {strides = array<i32>} : memref<512xi32, #tpu.memory_space<vmem>>, vector<16xi32>,
    %swap3A_388 = vector.shape_cast %swap3A_387 : vector<16xi32> to vector<16xi32>
    %swap3A_389 = vector.shape_cast %or3A_385 : vector<16xi32> to vector<16xi32>
    tpu.vector_store %arg9[%swap3A_386], %swap3A_389 {strides = array<i32>} : memref<512xi32, #tpu.memory_space<vmem>>, vector<16xi32>,
    %get3A_390 = arith.constant 368 : index
    %get3A_391 = tpu.vector_load %arg9[%get3A_390] {strides = array<i32>} : memref<512xi32, #tpu.memory_space<vmem>>, vector<16xi32>,
    %get3A_392 = vector.shape_cast %get3A_391 : vector<16xi32> to vector<16xi32>
    %shift_right_arithmetic3A_393 = arith.constant 13 : i32
    %shift_right_arithmetic3A_394 = vector.broadcast %shift_right_arithmetic3A_393 : i32 to vector<16xi32>
    %shift_right_arithmetic3A_395 = arith.shrsi %get3A_392, %shift_right_arithmetic3A_394 : vector<16xi32>
    %shift_left3A_396 = arith.constant 12 : i32
    %shift_left3A_397 = vector.broadcast %shift_left3A_396 : i32 to vector<16xi32>
    %shift_left3A_398 = arith.shli %shift_right_arithmetic3A_395, %shift_left3A_397 : vector<16xi32>
    %and3A_399 = arith.constant 4095 : i32
    %and3A_400 = vector.broadcast %and3A_399 : i32 to vector<16xi32>
    %and3A_401 = arith.andi %get3A_392, %and3A_400 : vector<16xi32>
    %or3A_402 = arith.ori %shift_left3A_398, %and3A_401 : vector<16xi32>
    %swap3A_403 = arith.constant 368 : index
    %swap3A_404 = tpu.vector_load %arg9[%swap3A_403] {strides = array<i32>} : memref<512xi32, #tpu.memory_space<vmem>>, vector<16xi32>,
    %swap3A_405 = vector.shape_cast %swap3A_404 : vector<16xi32> to vector<16xi32>
    %swap3A_406 = vector.shape_cast %or3A_402 : vector<16xi32> to vector<16xi32>
    tpu.vector_store %arg9[%swap3A_403], %swap3A_406 {strides = array<i32>} : memref<512xi32, #tpu.memory_space<vmem>>, vector<16xi32>,
    %get3A_407 = arith.constant 384 : index
    %get3A_408 = tpu.vector_load %arg9[%get3A_407] {strides = array<i32>} : memref<512xi32, #tpu.memory_space<vmem>>, vector<16xi32>,
    %get3A_409 = vector.shape_cast %get3A_408 : vector<16xi32> to vector<16xi32>
    %shift_right_arithmetic3A_410 = arith.constant 13 : i32
    %shift_right_arithmetic3A_411 = vector.broadcast %shift_right_arithmetic3A_410 : i32 to vector<16xi32>
    %shift_right_arithmetic3A_412 = arith.shrsi %get3A_409, %shift_right_arithmetic3A_411 : vector<16xi32>
    %shift_left3A_413 = arith.constant 12 : i32
    %shift_left3A_414 = vector.broadcast %shift_left3A_413 : i32 to vector<16xi32>
    %shift_left3A_415 = arith.shli %shift_right_arithmetic3A_412, %shift_left3A_414 : vector<16xi32>
    %and3A_416 = arith.constant 4095 : i32
    %and3A_417 = vector.broadcast %and3A_416 : i32 to vector<16xi32>
    %and3A_418 = arith.andi %get3A_409, %and3A_417 : vector<16xi32>
    %or3A_419 = arith.ori %shift_left3A_415, %and3A_418 : vector<16xi32>
    %swap3A_420 = arith.constant 384 : index
    %swap3A_421 = tpu.vector_load %arg9[%swap3A_420] {strides = array<i32>} : memref<512xi32, #tpu.memory_space<vmem>>, vector<16xi32>,
    %swap3A_422 = vector.shape_cast %swap3A_421 : vector<16xi32> to vector<16xi32>
    %swap3A_423 = vector.shape_cast %or3A_419 : vector<16xi32> to vector<16xi32>
    tpu.vector_store %arg9[%swap3A_420], %swap3A_423 {strides = array<i32>} : memref<512xi32, #tpu.memory_space<vmem>>, vector<16xi32>,
    %get3A_424 = arith.constant 400 : index
    %get3A_425 = tpu.vector_load %arg9[%get3A_424] {strides = array<i32>} : memref<512xi32, #tpu.memory_space<vmem>>, vector<16xi32>,
    %get3A_426 = vector.shape_cast %get3A_425 : vector<16xi32> to vector<16xi32>
    %shift_right_arithmetic3A_427 = arith.constant 13 : i32
    %shift_right_arithmetic3A_428 = vector.broadcast %shift_right_arithmetic3A_427 : i32 to vector<16xi32>
    %shift_right_arithmetic3A_429 = arith.shrsi %get3A_426, %shift_right_arithmetic3A_428 : vector<16xi32>
    %shift_left3A_430 = arith.constant 12 : i32
    %shift_left3A_431 = vector.broadcast %shift_left3A_430 : i32 to vector<16xi32>
    %shift_left3A_432 = arith.shli %shift_right_arithmetic3A_429, %shift_left3A_431 : vector<16xi32>
    %and3A_433 = arith.constant 4095 : i32
    %and3A_434 = vector.broadcast %and3A_433 : i32 to vector<16xi32>
    %and3A_435 = arith.andi %get3A_426, %and3A_434 : vector<16xi32>
    %or3A_436 = arith.ori %shift_left3A_432, %and3A_435 : vector<16xi32>
    %swap3A_437 = arith.constant 400 : index
    %swap3A_438 = tpu.vector_load %arg9[%swap3A_437] {strides = array<i32>} : memref<512xi32, #tpu.memory_space<vmem>>, vector<16xi32>,
    %swap3A_439 = vector.shape_cast %swap3A_438 : vector<16xi32> to vector<16xi32>
    %swap3A_440 = vector.shape_cast %or3A_436 : vector<16xi32> to vector<16xi32>
    tpu.vector_store %arg9[%swap3A_437], %swap3A_440 {strides = array<i32>} : memref<512xi32, #tpu.memory_space<vmem>>, vector<16xi32>,
    %get3A_441 = arith.constant 416 : index
    %get3A_442 = tpu.vector_load %arg9[%get3A_441] {strides = array<i32>} : memref<512xi32, #tpu.memory_space<vmem>>, vector<16xi32>,
    %get3A_443 = vector.shape_cast %get3A_442 : vector<16xi32> to vector<16xi32>
    %shift_right_arithmetic3A_444 = arith.constant 13 : i32
    %shift_right_arithmetic3A_445 = vector.broadcast %shift_right_arithmetic3A_444 : i32 to vector<16xi32>
    %shift_right_arithmetic3A_446 = arith.shrsi %get3A_443, %shift_right_arithmetic3A_445 : vector<16xi32>
    %shift_left3A_447 = arith.constant 12 : i32
    %shift_left3A_448 = vector.broadcast %shift_left3A_447 : i32 to vector<16xi32>
    %shift_left3A_449 = arith.shli %shift_right_arithmetic3A_446, %shift_left3A_448 : vector<16xi32>
    %and3A_450 = arith.constant 4095 : i32
    %and3A_451 = vector.broadcast %and3A_450 : i32 to vector<16xi32>
    %and3A_452 = arith.andi %get3A_443, %and3A_451 : vector<16xi32>
    %or3A_453 = arith.ori %shift_left3A_449, %and3A_452 : vector<16xi32>
    %swap3A_454 = arith.constant 416 : index
    %swap3A_455 = tpu.vector_load %arg9[%swap3A_454] {strides = array<i32>} : memref<512xi32, #tpu.memory_space<vmem>>, vector<16xi32>,
    %swap3A_456 = vector.shape_cast %swap3A_455 : vector<16xi32> to vector<16xi32>
    %swap3A_457 = vector.shape_cast %or3A_453 : vector<16xi32> to vector<16xi32>
    tpu.vector_store %arg9[%swap3A_454], %swap3A_457 {strides = array<i32>} : memref<512xi32, #tpu.memory_space<vmem>>, vector<16xi32>,
    %get3A_458 = arith.constant 432 : index
    %get3A_459 = tpu.vector_load %arg9[%get3A_458] {strides = array<i32>} : memref<512xi32, #tpu.memory_space<vmem>>, vector<16xi32>,
    %get3A_460 = vector.shape_cast %get3A_459 : vector<16xi32> to vector<16xi32>
    %shift_right_arithmetic3A_461 = arith.constant 13 : i32
    %shift_right_arithmetic3A_462 = vector.broadcast %shift_right_arithmetic3A_461 : i32 to vector<16xi32>
    %shift_right_arithmetic3A_463 = arith.shrsi %get3A_460, %shift_right_arithmetic3A_462 : vector<16xi32>
    %shift_left3A_464 = arith.constant 12 : i32
    %shift_left3A_465 = vector.broadcast %shift_left3A_464 : i32 to vector<16xi32>
    %shift_left3A_466 = arith.shli %shift_right_arithmetic3A_463, %shift_left3A_465 : vector<16xi32>
    %and3A_467 = arith.constant 4095 : i32
    %and3A_468 = vector.broadcast %and3A_467 : i32 to vector<16xi32>
    %and3A_469 = arith.andi %get3A_460, %and3A_468 : vector<16xi32>
    %or3A_470 = arith.ori %shift_left3A_466, %and3A_469 : vector<16xi32>
    %swap3A_471 = arith.constant 432 : index
    %swap3A_472 = tpu.vector_load %arg9[%swap3A_471] {strides = array<i32>} : memref<512xi32, #tpu.memory_space<vmem>>, vector<16xi32>,
    %swap3A_473 = vector.shape_cast %swap3A_472 : vector<16xi32> to vector<16xi32>
    %swap3A_474 = vector.shape_cast %or3A_470 : vector<16xi32> to vector<16xi32>
    tpu.vector_store %arg9[%swap3A_471], %swap3A_474 {strides = array<i32>} : memref<512xi32, #tpu.memory_space<vmem>>, vector<16xi32>,
    %get3A_475 = arith.constant 448 : index
    %get3A_476 = tpu.vector_load %arg9[%get3A_475] {strides = array<i32>} : memref<512xi32, #tpu.memory_space<vmem>>, vector<16xi32>,
    %get3A_477 = vector.shape_cast %get3A_476 : vector<16xi32> to vector<16xi32>
    %shift_right_arithmetic3A_478 = arith.constant 13 : i32
    %shift_right_arithmetic3A_479 = vector.broadcast %shift_right_arithmetic3A_478 : i32 to vector<16xi32>
    %shift_right_arithmetic3A_480 = arith.shrsi %get3A_477, %shift_right_arithmetic3A_479 : vector<16xi32>
    %shift_left3A_481 = arith.constant 12 : i32
    %shift_left3A_482 = vector.broadcast %shift_left3A_481 : i32 to vector<16xi32>
    %shift_left3A_483 = arith.shli %shift_right_arithmetic3A_480, %shift_left3A_482 : vector<16xi32>
    %and3A_484 = arith.constant 4095 : i32
    %and3A_485 = vector.broadcast %and3A_484 : i32 to vector<16xi32>
    %and3A_486 = arith.andi %get3A_477, %and3A_485 : vector<16xi32>
    %or3A_487 = arith.ori %shift_left3A_483, %and3A_486 : vector<16xi32>
    %swap3A_488 = arith.constant 448 : index
    %swap3A_489 = tpu.vector_load %arg9[%swap3A_488] {strides = array<i32>} : memref<512xi32, #tpu.memory_space<vmem>>, vector<16xi32>,
    %swap3A_490 = vector.shape_cast %swap3A_489 : vector<16xi32> to vector<16xi32>
    %swap3A_491 = vector.shape_cast %or3A_487 : vector<16xi32> to vector<16xi32>
    tpu.vector_store %arg9[%swap3A_488], %swap3A_491 {strides = array<i32>} : memref<512xi32, #tpu.memory_space<vmem>>, vector<16xi32>,
    %get3A_492 = arith.constant 464 : index
    %get3A_493 = tpu.vector_load %arg9[%get3A_492] {strides = array<i32>} : memref<512xi32, #tpu.memory_space<vmem>>, vector<16xi32>,
    %get3A_494 = vector.shape_cast %get3A_493 : vector<16xi32> to vector<16xi32>
    %shift_right_arithmetic3A_495 = arith.constant 13 : i32
    %shift_right_arithmetic3A_496 = vector.broadcast %shift_right_arithmetic3A_495 : i32 to vector<16xi32>
    %shift_right_arithmetic3A_497 = arith.shrsi %get3A_494, %shift_right_arithmetic3A_496 : vector<16xi32>
    %shift_left3A_498 = arith.constant 12 : i32
    %shift_left3A_499 = vector.broadcast %shift_left3A_498 : i32 to vector<16xi32>
    %shift_left3A_500 = arith.shli %shift_right_arithmetic3A_497, %shift_left3A_499 : vector<16xi32>
    %and3A_501 = arith.constant 4095 : i32
    %and3A_502 = vector.broadcast %and3A_501 : i32 to vector<16xi32>
    %and3A_503 = arith.andi %get3A_494, %and3A_502 : vector<16xi32>
    %or3A_504 = arith.ori %shift_left3A_500, %and3A_503 : vector<16xi32>
    %swap3A_505 = arith.constant 464 : index
    %swap3A_506 = tpu.vector_load %arg9[%swap3A_505] {strides = array<i32>} : memref<512xi32, #tpu.memory_space<vmem>>, vector<16xi32>,
    %swap3A_507 = vector.shape_cast %swap3A_506 : vector<16xi32> to vector<16xi32>
    %swap3A_508 = vector.shape_cast %or3A_504 : vector<16xi32> to vector<16xi32>
    tpu.vector_store %arg9[%swap3A_505], %swap3A_508 {strides = array<i32>} : memref<512xi32, #tpu.memory_space<vmem>>, vector<16xi32>,
    %get3A_509 = arith.constant 480 : index
    %get3A_510 = tpu.vector_load %arg9[%get3A_509] {strides = array<i32>} : memref<512xi32, #tpu.memory_space<vmem>>, vector<16xi32>,
    %get3A_511 = vector.shape_cast %get3A_510 : vector<16xi32> to vector<16xi32>
    %shift_right_arithmetic3A_512 = arith.constant 13 : i32
    %shift_right_arithmetic3A_513 = vector.broadcast %shift_right_arithmetic3A_512 : i32 to vector<16xi32>
    %shift_right_arithmetic3A_514 = arith.shrsi %get3A_511, %shift_right_arithmetic3A_513 : vector<16xi32>
    %shift_left3A_515 = arith.constant 12 : i32
    %shift_left3A_516 = vector.broadcast %shift_left3A_515 : i32 to vector<16xi32>
    %shift_left3A_517 = arith.shli %shift_right_arithmetic3A_514, %shift_left3A_516 : vector<16xi32>
    %and3A_518 = arith.constant 4095 : i32
    %and3A_519 = vector.broadcast %and3A_518 : i32 to vector<16xi32>
    %and3A_520 = arith.andi %get3A_511, %and3A_519 : vector<16xi32>
    %or3A_521 = arith.ori %shift_left3A_517, %and3A_520 : vector<16xi32>
    %swap3A_522 = arith.constant 480 : index
    %swap3A_523 = tpu.vector_load %arg9[%swap3A_522] {strides = array<i32>} : memref<512xi32, #tpu.memory_space<vmem>>, vector<16xi32>,
    %swap3A_524 = vector.shape_cast %swap3A_523 : vector<16xi32> to vector<16xi32>
    %swap3A_525 = vector.shape_cast %or3A_521 : vector<16xi32> to vector<16xi32>
    tpu.vector_store %arg9[%swap3A_522], %swap3A_525 {strides = array<i32>} : memref<512xi32, #tpu.memory_space<vmem>>, vector<16xi32>,
    %get3A_526 = arith.constant 496 : index
    %get3A_527 = tpu.vector_load %arg9[%get3A_526] {strides = array<i32>} : memref<512xi32, #tpu.memory_space<vmem>>, vector<16xi32>,
    %get3A_528 = vector.shape_cast %get3A_527 : vector<16xi32> to vector<16xi32>
    %shift_right_arithmetic3A_529 = arith.constant 13 : i32
    %shift_right_arithmetic3A_530 = vector.broadcast %shift_right_arithmetic3A_529 : i32 to vector<16xi32>
    %shift_right_arithmetic3A_531 = arith.shrsi %get3A_528, %shift_right_arithmetic3A_530 : vector<16xi32>
    %shift_left3A_532 = arith.constant 12 : i32
    %shift_left3A_533 = vector.broadcast %shift_left3A_532 : i32 to vector<16xi32>
    %shift_left3A_534 = arith.shli %shift_right_arithmetic3A_531, %shift_left3A_533 : vector<16xi32>
    %and3A_535 = arith.constant 4095 : i32
    %and3A_536 = vector.broadcast %and3A_535 : i32 to vector<16xi32>
    %and3A_537 = arith.andi %get3A_528, %and3A_536 : vector<16xi32>
    %or3A_538 = arith.ori %shift_left3A_534, %and3A_537 : vector<16xi32>
    %swap3A_539 = arith.constant 496 : index
    %swap3A_540 = tpu.vector_load %arg9[%swap3A_539] {strides = array<i32>} : memref<512xi32, #tpu.memory_space<vmem>>, vector<16xi32>,
    %swap3A_541 = vector.shape_cast %swap3A_540 : vector<16xi32> to vector<16xi32>
    %swap3A_542 = vector.shape_cast %or3A_538 : vector<16xi32> to vector<16xi32>
    tpu.vector_store %arg9[%swap3A_539], %swap3A_542 {strides = array<i32>} : memref<512xi32, #tpu.memory_space<vmem>>, vector<16xi32>,
    %dma_start3A = arith.constant 0 : i32
    %dma_start3A_543 = tpu.memref_slice %arg7[%dma_start3A] : memref<512xi32, #tpu.memory_space<vmem>> -> memref<128xi32, #tpu.memory_space<vmem>>
    %dma_start3A_544 = arith.constant 0 : i32
    %dma_start3A_545 = arith.constant 0 : i32
    %dma_start3A_546 = tpu.memref_slice %arg3[%dma_start3A_544, %dma_start3A_545] : memref<100000x128xf32, #tpu.memory_space<hbm>> -> memref<100000x128xf32, #tpu.memory_space<hbm>>
    tpu.enqueue_indirect_dma source(%dma_start3A_546 : memref<100000x128xf32, #tpu.memory_space<hbm>>) target(%arg10 : memref<128x128xf32, #tpu.memory_space<vmem>>) offsets(%dma_start3A_543 : memref<128xi32, #tpu.memory_space<vmem>>) semaphore(%arg12 : memref<!tpu.dma_semaphore, #tpu.memory_space<semaphore_mem>>)
    %dma_start3A_547 = arith.constant 128 : i32
    %dma_start3A_548 = tpu.memref_slice %arg7[%dma_start3A_547] : memref<512xi32, #tpu.memory_space<vmem>> -> memref<128xi32, #tpu.memory_space<vmem>>
    %dma_start3A_549 = arith.constant 0 : i32
    %dma_start3A_550 = arith.constant 0 : i32
    %dma_start3A_551 = tpu.memref_slice %arg3[%dma_start3A_549, %dma_start3A_550] : memref<100000x128xf32, #tpu.memory_space<hbm>> -> memref<100000x128xf32, #tpu.memory_space<hbm>>
    tpu.enqueue_indirect_dma source(%dma_start3A_551 : memref<100000x128xf32, #tpu.memory_space<hbm>>) target(%arg11 : memref<128x128xf32, #tpu.memory_space<vmem>>) offsets(%dma_start3A_548 : memref<128xi32, #tpu.memory_space<vmem>>) semaphore(%arg13 : memref<!tpu.dma_semaphore, #tpu.memory_space<semaphore_mem>>)
    %dma_wait3A = arith.constant 0 : i32
    %dma_wait3A_552 = tpu.memref_slice %arg7[%dma_wait3A] : memref<512xi32, #tpu.memory_space<vmem>> -> memref<128xi32, #tpu.memory_space<vmem>>
    %dma_wait3A_553 = arith.constant 0 : i32
    %dma_wait3A_554 = arith.constant 0 : i32
    %dma_wait3A_555 = tpu.memref_slice %arg3[%dma_wait3A_553, %dma_wait3A_554] : memref<100000x128xf32, #tpu.memory_space<hbm>> -> memref<100000x128xf32, #tpu.memory_space<hbm>>
    tpu.wait_indirect_dma semaphore(%arg12 : memref<!tpu.dma_semaphore, #tpu.memory_space<semaphore_mem>>) src(%dma_wait3A_555 : memref<100000x128xf32, #tpu.memory_space<hbm>>) dst(%arg10 : memref<128x128xf32, #tpu.memory_space<vmem>>)
    %add3A_556 = arith.constant 0 : i32
    %add3A_557 = arith.addi %mul3A_2, %add3A_556 : i32
    %dma_start3A_558 = arith.constant 0 : i32
    %dma_start3A_559 = arith.constant 0 : i32
    %dma_start3A_560 = tpu.memref_slice %arg10[%dma_start3A_558, %dma_start3A_559] : memref<128x128xf32, #tpu.memory_space<vmem>> -> memref<128x64xf32, #tpu.memory_space<vmem>>
    %dma_start3A_561 = arith.constant 0 : i32
    %dma_start3A_562 = tpu.memref_slice %arg5[%add3A_557, %dma_start3A_561] : memref<16384x128xf32, #tpu.memory_space<hbm>> -> memref<128x64xf32, #tpu.memory_space<hbm>>
    %dma_start3A_563 = arith.constant 0 : i32
    %dma_start3A_564 = tpu.memref_slice %arg5[%add3A_557, %dma_start3A_563] : memref<16384x128xf32, #tpu.memory_space<hbm>> -> memref<128x64xf32, #tpu.memory_space<hbm>>
    %dma_start3A_565 = arith.constant 0 : i32
    %dma_start3A_566 = arith.constant 0 : i32
    %dma_start3A_567 = tpu.memref_slice %arg10[%dma_start3A_565, %dma_start3A_566] : memref<128x128xf32, #tpu.memory_space<vmem>> -> memref<128x64xf32, #tpu.memory_space<vmem>>
    tpu.enqueue_dma source(%dma_start3A_567 : memref<128x64xf32, #tpu.memory_space<vmem>>) target(%dma_start3A_564 : memref<128x64xf32, #tpu.memory_space<hbm>>) target_semaphore(%arg14 : memref<!tpu.dma_semaphore, #tpu.memory_space<semaphore_mem>>)
    %dma_wait3A_568 = arith.constant 0 : i32
    %dma_wait3A_569 = arith.constant 0 : i32
    %dma_wait3A_570 = tpu.memref_slice %arg10[%dma_wait3A_568, %dma_wait3A_569] : memref<128x128xf32, #tpu.memory_space<vmem>> -> memref<128x64xf32, #tpu.memory_space<vmem>>
    %dma_wait3A_571 = arith.constant 0 : i32
    %dma_wait3A_572 = tpu.memref_slice %arg5[%add3A_557, %dma_wait3A_571] : memref<16384x128xf32, #tpu.memory_space<hbm>> -> memref<128x64xf32, #tpu.memory_space<hbm>>
    %dma_wait3A_573 = arith.constant 0 : i32
    %dma_wait3A_574 = tpu.memref_slice %arg5[%add3A_557, %dma_wait3A_573] : memref<16384x128xf32, #tpu.memory_space<hbm>> -> memref<128x64xf32, #tpu.memory_space<hbm>>
    %dma_wait3A_575 = arith.constant 0 : i32
    %dma_wait3A_576 = arith.constant 0 : i32
    %dma_wait3A_577 = tpu.memref_slice %arg10[%dma_wait3A_575, %dma_wait3A_576] : memref<128x128xf32, #tpu.memory_space<vmem>> -> memref<128x64xf32, #tpu.memory_space<vmem>>
    tpu.wait_dma2 semaphore(%arg14 : memref<!tpu.dma_semaphore, #tpu.memory_space<semaphore_mem>>) src(%dma_wait3A_577 : memref<128x64xf32, #tpu.memory_space<vmem>>) dst(%dma_wait3A_574 : memref<128x64xf32, #tpu.memory_space<hbm>>)
    %dma_start3A_578 = arith.constant 256 : i32
    %dma_start3A_579 = tpu.memref_slice %arg7[%dma_start3A_578] : memref<512xi32, #tpu.memory_space<vmem>> -> memref<128xi32, #tpu.memory_space<vmem>>
    %dma_start3A_580 = arith.constant 0 : i32
    %dma_start3A_581 = arith.constant 0 : i32
    %dma_start3A_582 = tpu.memref_slice %arg3[%dma_start3A_580, %dma_start3A_581] : memref<100000x128xf32, #tpu.memory_space<hbm>> -> memref<100000x128xf32, #tpu.memory_space<hbm>>
    tpu.enqueue_indirect_dma source(%dma_start3A_582 : memref<100000x128xf32, #tpu.memory_space<hbm>>) target(%arg10 : memref<128x128xf32, #tpu.memory_space<vmem>>) offsets(%dma_start3A_579 : memref<128xi32, #tpu.memory_space<vmem>>) semaphore(%arg12 : memref<!tpu.dma_semaphore, #tpu.memory_space<semaphore_mem>>)
    %dma_wait3A_583 = arith.constant 128 : i32
    %dma_wait3A_584 = tpu.memref_slice %arg7[%dma_wait3A_583] : memref<512xi32, #tpu.memory_space<vmem>> -> memref<128xi32, #tpu.memory_space<vmem>>
    %dma_wait3A_585 = arith.constant 0 : i32
    %dma_wait3A_586 = arith.constant 0 : i32
    %dma_wait3A_587 = tpu.memref_slice %arg3[%dma_wait3A_585, %dma_wait3A_586] : memref<100000x128xf32, #tpu.memory_space<hbm>> -> memref<100000x128xf32, #tpu.memory_space<hbm>>
    tpu.wait_indirect_dma semaphore(%arg13 : memref<!tpu.dma_semaphore, #tpu.memory_space<semaphore_mem>>) src(%dma_wait3A_587 : memref<100000x128xf32, #tpu.memory_space<hbm>>) dst(%arg11 : memref<128x128xf32, #tpu.memory_space<vmem>>)
    %add3A_588 = arith.constant 128 : i32
    %add3A_589 = arith.addi %mul3A_2, %add3A_588 : i32
    %dma_start3A_590 = arith.constant 0 : i32
    %dma_start3A_591 = arith.constant 0 : i32
    %dma_start3A_592 = tpu.memref_slice %arg11[%dma_start3A_590, %dma_start3A_591] : memref<128x128xf32, #tpu.memory_space<vmem>> -> memref<128x64xf32, #tpu.memory_space<vmem>>
    %dma_start3A_593 = arith.constant 0 : i32
    %dma_start3A_594 = tpu.memref_slice %arg5[%add3A_589, %dma_start3A_593] : memref<16384x128xf32, #tpu.memory_space<hbm>> -> memref<128x64xf32, #tpu.memory_space<hbm>>
    %dma_start3A_595 = arith.constant 0 : i32
    %dma_start3A_596 = tpu.memref_slice %arg5[%add3A_589, %dma_start3A_595] : memref<16384x128xf32, #tpu.memory_space<hbm>> -> memref<128x64xf32, #tpu.memory_space<hbm>>
    %dma_start3A_597 = arith.constant 0 : i32
    %dma_start3A_598 = arith.constant 0 : i32
    %dma_start3A_599 = tpu.memref_slice %arg11[%dma_start3A_597, %dma_start3A_598] : memref<128x128xf32, #tpu.memory_space<vmem>> -> memref<128x64xf32, #tpu.memory_space<vmem>>
    tpu.enqueue_dma source(%dma_start3A_599 : memref<128x64xf32, #tpu.memory_space<vmem>>) target(%dma_start3A_596 : memref<128x64xf32, #tpu.memory_space<hbm>>) target_semaphore(%arg15 : memref<!tpu.dma_semaphore, #tpu.memory_space<semaphore_mem>>)
    %dma_wait3A_600 = arith.constant 0 : i32
    %dma_wait3A_601 = arith.constant 0 : i32
    %dma_wait3A_602 = tpu.memref_slice %arg11[%dma_wait3A_600, %dma_wait3A_601] : memref<128x128xf32, #tpu.memory_space<vmem>> -> memref<128x64xf32, #tpu.memory_space<vmem>>
    %dma_wait3A_603 = arith.constant 0 : i32
    %dma_wait3A_604 = tpu.memref_slice %arg5[%add3A_589, %dma_wait3A_603] : memref<16384x128xf32, #tpu.memory_space<hbm>> -> memref<128x64xf32, #tpu.memory_space<hbm>>
    %dma_wait3A_605 = arith.constant 0 : i32
    %dma_wait3A_606 = tpu.memref_slice %arg5[%add3A_589, %dma_wait3A_605] : memref<16384x128xf32, #tpu.memory_space<hbm>> -> memref<128x64xf32, #tpu.memory_space<hbm>>
    %dma_wait3A_607 = arith.constant 0 : i32
    %dma_wait3A_608 = arith.constant 0 : i32
    %dma_wait3A_609 = tpu.memref_slice %arg11[%dma_wait3A_607, %dma_wait3A_608] : memref<128x128xf32, #tpu.memory_space<vmem>> -> memref<128x64xf32, #tpu.memory_space<vmem>>
    tpu.wait_dma2 semaphore(%arg15 : memref<!tpu.dma_semaphore, #tpu.memory_space<semaphore_mem>>) src(%dma_wait3A_609 : memref<128x64xf32, #tpu.memory_space<vmem>>) dst(%dma_wait3A_606 : memref<128x64xf32, #tpu.memory_space<hbm>>)
    %dma_start3A_610 = arith.constant 384 : i32
    %dma_start3A_611 = tpu.memref_slice %arg7[%dma_start3A_610] : memref<512xi32, #tpu.memory_space<vmem>> -> memref<128xi32, #tpu.memory_space<vmem>>
    %dma_start3A_612 = arith.constant 0 : i32
    %dma_start3A_613 = arith.constant 0 : i32
    %dma_start3A_614 = tpu.memref_slice %arg3[%dma_start3A_612, %dma_start3A_613] : memref<100000x128xf32, #tpu.memory_space<hbm>> -> memref<100000x128xf32, #tpu.memory_space<hbm>>
    tpu.enqueue_indirect_dma source(%dma_start3A_614 : memref<100000x128xf32, #tpu.memory_space<hbm>>) target(%arg11 : memref<128x128xf32, #tpu.memory_space<vmem>>) offsets(%dma_start3A_611 : memref<128xi32, #tpu.memory_space<vmem>>) semaphore(%arg13 : memref<!tpu.dma_semaphore, #tpu.memory_space<semaphore_mem>>)
    %dma_wait3A_615 = arith.constant 256 : i32
    %dma_wait3A_616 = tpu.memref_slice %arg7[%dma_wait3A_615] : memref<512xi32, #tpu.memory_space<vmem>> -> memref<128xi32, #tpu.memory_space<vmem>>
    %dma_wait3A_617 = arith.constant 0 : i32
    %dma_wait3A_618 = arith.constant 0 : i32
    %dma_wait3A_619 = tpu.memref_slice %arg3[%dma_wait3A_617, %dma_wait3A_618] : memref<100000x128xf32, #tpu.memory_space<hbm>> -> memref<100000x128xf32, #tpu.memory_space<hbm>>
    tpu.wait_indirect_dma semaphore(%arg12 : memref<!tpu.dma_semaphore, #tpu.memory_space<semaphore_mem>>) src(%dma_wait3A_619 : memref<100000x128xf32, #tpu.memory_space<hbm>>) dst(%arg10 : memref<128x128xf32, #tpu.memory_space<vmem>>)
    %add3A_620 = arith.constant 256 : i32
    %add3A_621 = arith.addi %mul3A_2, %add3A_620 : i32
    %dma_start3A_622 = arith.constant 0 : i32
    %dma_start3A_623 = arith.constant 0 : i32
    %dma_start3A_624 = tpu.memref_slice %arg10[%dma_start3A_622, %dma_start3A_623] : memref<128x128xf32, #tpu.memory_space<vmem>> -> memref<128x64xf32, #tpu.memory_space<vmem>>
    %dma_start3A_625 = arith.constant 0 : i32
    %dma_start3A_626 = tpu.memref_slice %arg5[%add3A_621, %dma_start3A_625] : memref<16384x128xf32, #tpu.memory_space<hbm>> -> memref<128x64xf32, #tpu.memory_space<hbm>>
    %dma_start3A_627 = arith.constant 0 : i32
    %dma_start3A_628 = tpu.memref_slice %arg5[%add3A_621, %dma_start3A_627] : memref<16384x128xf32, #tpu.memory_space<hbm>> -> memref<128x64xf32, #tpu.memory_space<hbm>>
    %dma_start3A_629 = arith.constant 0 : i32
    %dma_start3A_630 = arith.constant 0 : i32
    %dma_start3A_631 = tpu.memref_slice %arg10[%dma_start3A_629, %dma_start3A_630] : memref<128x128xf32, #tpu.memory_space<vmem>> -> memref<128x64xf32, #tpu.memory_space<vmem>>
    tpu.enqueue_dma source(%dma_start3A_631 : memref<128x64xf32, #tpu.memory_space<vmem>>) target(%dma_start3A_628 : memref<128x64xf32, #tpu.memory_space<hbm>>) target_semaphore(%arg14 : memref<!tpu.dma_semaphore, #tpu.memory_space<semaphore_mem>>)
    %dma_wait3A_632 = arith.constant 0 : i32
    %dma_wait3A_633 = arith.constant 0 : i32
    %dma_wait3A_634 = tpu.memref_slice %arg10[%dma_wait3A_632, %dma_wait3A_633] : memref<128x128xf32, #tpu.memory_space<vmem>> -> memref<128x64xf32, #tpu.memory_space<vmem>>
    %dma_wait3A_635 = arith.constant 0 : i32
    %dma_wait3A_636 = tpu.memref_slice %arg5[%add3A_621, %dma_wait3A_635] : memref<16384x128xf32, #tpu.memory_space<hbm>> -> memref<128x64xf32, #tpu.memory_space<hbm>>
    %dma_wait3A_637 = arith.constant 0 : i32
    %dma_wait3A_638 = tpu.memref_slice %arg5[%add3A_621, %dma_wait3A_637] : memref<16384x128xf32, #tpu.memory_space<hbm>> -> memref<128x64xf32, #tpu.memory_space<hbm>>
    %dma_wait3A_639 = arith.constant 0 : i32
    %dma_wait3A_640 = arith.constant 0 : i32
    %dma_wait3A_641 = tpu.memref_slice %arg10[%dma_wait3A_639, %dma_wait3A_640] : memref<128x128xf32, #tpu.memory_space<vmem>> -> memref<128x64xf32, #tpu.memory_space<vmem>>
    tpu.wait_dma2 semaphore(%arg14 : memref<!tpu.dma_semaphore, #tpu.memory_space<semaphore_mem>>) src(%dma_wait3A_641 : memref<128x64xf32, #tpu.memory_space<vmem>>) dst(%dma_wait3A_638 : memref<128x64xf32, #tpu.memory_space<hbm>>)
    %dma_start3A_642 = arith.constant 0 : i32
    %dma_start3A_643 = tpu.memref_slice %arg8[%dma_start3A_642] : memref<512xi32, #tpu.memory_space<vmem>> -> memref<128xi32, #tpu.memory_space<vmem>>
    %dma_start3A_644 = arith.constant 0 : i32
    %dma_start3A_645 = arith.constant 0 : i32
    %dma_start3A_646 = tpu.memref_slice %arg3[%dma_start3A_644, %dma_start3A_645] : memref<100000x128xf32, #tpu.memory_space<hbm>> -> memref<100000x128xf32, #tpu.memory_space<hbm>>
    tpu.enqueue_indirect_dma source(%dma_start3A_646 : memref<100000x128xf32, #tpu.memory_space<hbm>>) target(%arg10 : memref<128x128xf32, #tpu.memory_space<vmem>>) offsets(%dma_start3A_643 : memref<128xi32, #tpu.memory_space<vmem>>) semaphore(%arg12 : memref<!tpu.dma_semaphore, #tpu.memory_space<semaphore_mem>>)
    %dma_wait3A_647 = arith.constant 384 : i32
    %dma_wait3A_648 = tpu.memref_slice %arg7[%dma_wait3A_647] : memref<512xi32, #tpu.memory_space<vmem>> -> memref<128xi32, #tpu.memory_space<vmem>>
    %dma_wait3A_649 = arith.constant 0 : i32
    %dma_wait3A_650 = arith.constant 0 : i32
    %dma_wait3A_651 = tpu.memref_slice %arg3[%dma_wait3A_649, %dma_wait3A_650] : memref<100000x128xf32, #tpu.memory_space<hbm>> -> memref<100000x128xf32, #tpu.memory_space<hbm>>
    tpu.wait_indirect_dma semaphore(%arg13 : memref<!tpu.dma_semaphore, #tpu.memory_space<semaphore_mem>>) src(%dma_wait3A_651 : memref<100000x128xf32, #tpu.memory_space<hbm>>) dst(%arg11 : memref<128x128xf32, #tpu.memory_space<vmem>>)
    %add3A_652 = arith.constant 384 : i32
    %add3A_653 = arith.addi %mul3A_2, %add3A_652 : i32
    %dma_start3A_654 = arith.constant 0 : i32
    %dma_start3A_655 = arith.constant 0 : i32
    %dma_start3A_656 = tpu.memref_slice %arg11[%dma_start3A_654, %dma_start3A_655] : memref<128x128xf32, #tpu.memory_space<vmem>> -> memref<128x64xf32, #tpu.memory_space<vmem>>
    %dma_start3A_657 = arith.constant 0 : i32
    %dma_start3A_658 = tpu.memref_slice %arg5[%add3A_653, %dma_start3A_657] : memref<16384x128xf32, #tpu.memory_space<hbm>> -> memref<128x64xf32, #tpu.memory_space<hbm>>
    %dma_start3A_659 = arith.constant 0 : i32
    %dma_start3A_660 = tpu.memref_slice %arg5[%add3A_653, %dma_start3A_659] : memref<16384x128xf32, #tpu.memory_space<hbm>> -> memref<128x64xf32, #tpu.memory_space<hbm>>
    %dma_start3A_661 = arith.constant 0 : i32
    %dma_start3A_662 = arith.constant 0 : i32
    %dma_start3A_663 = tpu.memref_slice %arg11[%dma_start3A_661, %dma_start3A_662] : memref<128x128xf32, #tpu.memory_space<vmem>> -> memref<128x64xf32, #tpu.memory_space<vmem>>
    tpu.enqueue_dma source(%dma_start3A_663 : memref<128x64xf32, #tpu.memory_space<vmem>>) target(%dma_start3A_660 : memref<128x64xf32, #tpu.memory_space<hbm>>) target_semaphore(%arg15 : memref<!tpu.dma_semaphore, #tpu.memory_space<semaphore_mem>>)
    %dma_wait3A_664 = arith.constant 0 : i32
    %dma_wait3A_665 = arith.constant 0 : i32
    %dma_wait3A_666 = tpu.memref_slice %arg11[%dma_wait3A_664, %dma_wait3A_665] : memref<128x128xf32, #tpu.memory_space<vmem>> -> memref<128x64xf32, #tpu.memory_space<vmem>>
    %dma_wait3A_667 = arith.constant 0 : i32
    %dma_wait3A_668 = tpu.memref_slice %arg5[%add3A_653, %dma_wait3A_667] : memref<16384x128xf32, #tpu.memory_space<hbm>> -> memref<128x64xf32, #tpu.memory_space<hbm>>
    %dma_wait3A_669 = arith.constant 0 : i32
    %dma_wait3A_670 = tpu.memref_slice %arg5[%add3A_653, %dma_wait3A_669] : memref<16384x128xf32, #tpu.memory_space<hbm>> -> memref<128x64xf32, #tpu.memory_space<hbm>>
    %dma_wait3A_671 = arith.constant 0 : i32
    %dma_wait3A_672 = arith.constant 0 : i32
    %dma_wait3A_673 = tpu.memref_slice %arg11[%dma_wait3A_671, %dma_wait3A_672] : memref<128x128xf32, #tpu.memory_space<vmem>> -> memref<128x64xf32, #tpu.memory_space<vmem>>
    tpu.wait_dma2 semaphore(%arg15 : memref<!tpu.dma_semaphore, #tpu.memory_space<semaphore_mem>>) src(%dma_wait3A_673 : memref<128x64xf32, #tpu.memory_space<vmem>>) dst(%dma_wait3A_670 : memref<128x64xf32, #tpu.memory_space<hbm>>)
    %dma_start3A_674 = arith.constant 128 : i32
    %dma_start3A_675 = tpu.memref_slice %arg8[%dma_start3A_674] : memref<512xi32, #tpu.memory_space<vmem>> -> memref<128xi32, #tpu.memory_space<vmem>>
    %dma_start3A_676 = arith.constant 0 : i32
    %dma_start3A_677 = arith.constant 0 : i32
    %dma_start3A_678 = tpu.memref_slice %arg3[%dma_start3A_676, %dma_start3A_677] : memref<100000x128xf32, #tpu.memory_space<hbm>> -> memref<100000x128xf32, #tpu.memory_space<hbm>>
    tpu.enqueue_indirect_dma source(%dma_start3A_678 : memref<100000x128xf32, #tpu.memory_space<hbm>>) target(%arg11 : memref<128x128xf32, #tpu.memory_space<vmem>>) offsets(%dma_start3A_675 : memref<128xi32, #tpu.memory_space<vmem>>) semaphore(%arg13 : memref<!tpu.dma_semaphore, #tpu.memory_space<semaphore_mem>>)
    %dma_wait3A_679 = arith.constant 0 : i32
    %dma_wait3A_680 = tpu.memref_slice %arg8[%dma_wait3A_679] : memref<512xi32, #tpu.memory_space<vmem>> -> memref<128xi32, #tpu.memory_space<vmem>>
    %dma_wait3A_681 = arith.constant 0 : i32
    %dma_wait3A_682 = arith.constant 0 : i32
    %dma_wait3A_683 = tpu.memref_slice %arg3[%dma_wait3A_681, %dma_wait3A_682] : memref<100000x128xf32, #tpu.memory_space<hbm>> -> memref<100000x128xf32, #tpu.memory_space<hbm>>
    tpu.wait_indirect_dma semaphore(%arg12 : memref<!tpu.dma_semaphore, #tpu.memory_space<semaphore_mem>>) src(%dma_wait3A_683 : memref<100000x128xf32, #tpu.memory_space<hbm>>) dst(%arg10 : memref<128x128xf32, #tpu.memory_space<vmem>>)
    %add3A_684 = arith.constant 0 : i32
    %add3A_685 = arith.addi %mul3A_2, %add3A_684 : i32
    %dma_start3A_686 = arith.constant 0 : i32
    %dma_start3A_687 = arith.constant 64 : i32
    %dma_start3A_688 = tpu.memref_slice %arg10[%dma_start3A_686, %dma_start3A_687] : memref<128x128xf32, #tpu.memory_space<vmem>> -> memref<128x64xf32, #tpu.memory_space<vmem>>
    %dma_start3A_689 = arith.constant 64 : i32
    %dma_start3A_690 = tpu.memref_slice %arg5[%add3A_685, %dma_start3A_689] : memref<16384x128xf32, #tpu.memory_space<hbm>> -> memref<128x64xf32, #tpu.memory_space<hbm>>
    %dma_start3A_691 = arith.constant 64 : i32
    %dma_start3A_692 = tpu.memref_slice %arg5[%add3A_685, %dma_start3A_691] : memref<16384x128xf32, #tpu.memory_space<hbm>> -> memref<128x64xf32, #tpu.memory_space<hbm>>
    %dma_start3A_693 = arith.constant 0 : i32
    %dma_start3A_694 = arith.constant 64 : i32
    %dma_start3A_695 = tpu.memref_slice %arg10[%dma_start3A_693, %dma_start3A_694] : memref<128x128xf32, #tpu.memory_space<vmem>> -> memref<128x64xf32, #tpu.memory_space<vmem>>
    tpu.enqueue_dma source(%dma_start3A_695 : memref<128x64xf32, #tpu.memory_space<vmem>>) target(%dma_start3A_692 : memref<128x64xf32, #tpu.memory_space<hbm>>) target_semaphore(%arg14 : memref<!tpu.dma_semaphore, #tpu.memory_space<semaphore_mem>>)
    %dma_wait3A_696 = arith.constant 0 : i32
    %dma_wait3A_697 = arith.constant 64 : i32
    %dma_wait3A_698 = tpu.memref_slice %arg10[%dma_wait3A_696, %dma_wait3A_697] : memref<128x128xf32, #tpu.memory_space<vmem>> -> memref<128x64xf32, #tpu.memory_space<vmem>>
    %dma_wait3A_699 = arith.constant 64 : i32
    %dma_wait3A_700 = tpu.memref_slice %arg5[%add3A_685, %dma_wait3A_699] : memref<16384x128xf32, #tpu.memory_space<hbm>> -> memref<128x64xf32, #tpu.memory_space<hbm>>
    %dma_wait3A_701 = arith.constant 64 : i32
    %dma_wait3A_702 = tpu.memref_slice %arg5[%add3A_685, %dma_wait3A_701] : memref<16384x128xf32, #tpu.memory_space<hbm>> -> memref<128x64xf32, #tpu.memory_space<hbm>>
    %dma_wait3A_703 = arith.constant 0 : i32
    %dma_wait3A_704 = arith.constant 64 : i32
    %dma_wait3A_705 = tpu.memref_slice %arg10[%dma_wait3A_703, %dma_wait3A_704] : memref<128x128xf32, #tpu.memory_space<vmem>> -> memref<128x64xf32, #tpu.memory_space<vmem>>
    tpu.wait_dma2 semaphore(%arg14 : memref<!tpu.dma_semaphore, #tpu.memory_space<semaphore_mem>>) src(%dma_wait3A_705 : memref<128x64xf32, #tpu.memory_space<vmem>>) dst(%dma_wait3A_702 : memref<128x64xf32, #tpu.memory_space<hbm>>)
    %dma_start3A_706 = arith.constant 256 : i32
    %dma_start3A_707 = tpu.memref_slice %arg8[%dma_start3A_706] : memref<512xi32, #tpu.memory_space<vmem>> -> memref<128xi32, #tpu.memory_space<vmem>>
    %dma_start3A_708 = arith.constant 0 : i32
    %dma_start3A_709 = arith.constant 0 : i32
    %dma_start3A_710 = tpu.memref_slice %arg3[%dma_start3A_708, %dma_start3A_709] : memref<100000x128xf32, #tpu.memory_space<hbm>> -> memref<100000x128xf32, #tpu.memory_space<hbm>>
    tpu.enqueue_indirect_dma source(%dma_start3A_710 : memref<100000x128xf32, #tpu.memory_space<hbm>>) target(%arg10 : memref<128x128xf32, #tpu.memory_space<vmem>>) offsets(%dma_start3A_707 : memref<128xi32, #tpu.memory_space<vmem>>) semaphore(%arg12 : memref<!tpu.dma_semaphore, #tpu.memory_space<semaphore_mem>>)
    %dma_wait3A_711 = arith.constant 128 : i32
    %dma_wait3A_712 = tpu.memref_slice %arg8[%dma_wait3A_711] : memref<512xi32, #tpu.memory_space<vmem>> -> memref<128xi32, #tpu.memory_space<vmem>>
    %dma_wait3A_713 = arith.constant 0 : i32
    %dma_wait3A_714 = arith.constant 0 : i32
    %dma_wait3A_715 = tpu.memref_slice %arg3[%dma_wait3A_713, %dma_wait3A_714] : memref<100000x128xf32, #tpu.memory_space<hbm>> -> memref<100000x128xf32, #tpu.memory_space<hbm>>
    tpu.wait_indirect_dma semaphore(%arg13 : memref<!tpu.dma_semaphore, #tpu.memory_space<semaphore_mem>>) src(%dma_wait3A_715 : memref<100000x128xf32, #tpu.memory_space<hbm>>) dst(%arg11 : memref<128x128xf32, #tpu.memory_space<vmem>>)
    %add3A_716 = arith.constant 128 : i32
    %add3A_717 = arith.addi %mul3A_2, %add3A_716 : i32
    %dma_start3A_718 = arith.constant 0 : i32
    %dma_start3A_719 = arith.constant 64 : i32
    %dma_start3A_720 = tpu.memref_slice %arg11[%dma_start3A_718, %dma_start3A_719] : memref<128x128xf32, #tpu.memory_space<vmem>> -> memref<128x64xf32, #tpu.memory_space<vmem>>
    %dma_start3A_721 = arith.constant 64 : i32
    %dma_start3A_722 = tpu.memref_slice %arg5[%add3A_717, %dma_start3A_721] : memref<16384x128xf32, #tpu.memory_space<hbm>> -> memref<128x64xf32, #tpu.memory_space<hbm>>
    %dma_start3A_723 = arith.constant 64 : i32
    %dma_start3A_724 = tpu.memref_slice %arg5[%add3A_717, %dma_start3A_723] : memref<16384x128xf32, #tpu.memory_space<hbm>> -> memref<128x64xf32, #tpu.memory_space<hbm>>
    %dma_start3A_725 = arith.constant 0 : i32
    %dma_start3A_726 = arith.constant 64 : i32
    %dma_start3A_727 = tpu.memref_slice %arg11[%dma_start3A_725, %dma_start3A_726] : memref<128x128xf32, #tpu.memory_space<vmem>> -> memref<128x64xf32, #tpu.memory_space<vmem>>
    tpu.enqueue_dma source(%dma_start3A_727 : memref<128x64xf32, #tpu.memory_space<vmem>>) target(%dma_start3A_724 : memref<128x64xf32, #tpu.memory_space<hbm>>) target_semaphore(%arg15 : memref<!tpu.dma_semaphore, #tpu.memory_space<semaphore_mem>>)
    %dma_wait3A_728 = arith.constant 0 : i32
    %dma_wait3A_729 = arith.constant 64 : i32
    %dma_wait3A_730 = tpu.memref_slice %arg11[%dma_wait3A_728, %dma_wait3A_729] : memref<128x128xf32, #tpu.memory_space<vmem>> -> memref<128x64xf32, #tpu.memory_space<vmem>>
    %dma_wait3A_731 = arith.constant 64 : i32
    %dma_wait3A_732 = tpu.memref_slice %arg5[%add3A_717, %dma_wait3A_731] : memref<16384x128xf32, #tpu.memory_space<hbm>> -> memref<128x64xf32, #tpu.memory_space<hbm>>
    %dma_wait3A_733 = arith.constant 64 : i32
    %dma_wait3A_734 = tpu.memref_slice %arg5[%add3A_717, %dma_wait3A_733] : memref<16384x128xf32, #tpu.memory_space<hbm>> -> memref<128x64xf32, #tpu.memory_space<hbm>>
    %dma_wait3A_735 = arith.constant 0 : i32
    %dma_wait3A_736 = arith.constant 64 : i32
    %dma_wait3A_737 = tpu.memref_slice %arg11[%dma_wait3A_735, %dma_wait3A_736] : memref<128x128xf32, #tpu.memory_space<vmem>> -> memref<128x64xf32, #tpu.memory_space<vmem>>
    tpu.wait_dma2 semaphore(%arg15 : memref<!tpu.dma_semaphore, #tpu.memory_space<semaphore_mem>>) src(%dma_wait3A_737 : memref<128x64xf32, #tpu.memory_space<vmem>>) dst(%dma_wait3A_734 : memref<128x64xf32, #tpu.memory_space<hbm>>)
    %dma_start3A_738 = arith.constant 384 : i32
    %dma_start3A_739 = tpu.memref_slice %arg8[%dma_start3A_738] : memref<512xi32, #tpu.memory_space<vmem>> -> memref<128xi32, #tpu.memory_space<vmem>>
    %dma_start3A_740 = arith.constant 0 : i32
    %dma_start3A_741 = arith.constant 0 : i32
    %dma_start3A_742 = tpu.memref_slice %arg3[%dma_start3A_740, %dma_start3A_741] : memref<100000x128xf32, #tpu.memory_space<hbm>> -> memref<100000x128xf32, #tpu.memory_space<hbm>>
    tpu.enqueue_indirect_dma source(%dma_start3A_742 : memref<100000x128xf32, #tpu.memory_space<hbm>>) target(%arg11 : memref<128x128xf32, #tpu.memory_space<vmem>>) offsets(%dma_start3A_739 : memref<128xi32, #tpu.memory_space<vmem>>) semaphore(%arg13 : memref<!tpu.dma_semaphore, #tpu.memory_space<semaphore_mem>>)
    %dma_wait3A_743 = arith.constant 256 : i32
    %dma_wait3A_744 = tpu.memref_slice %arg8[%dma_wait3A_743] : memref<512xi32, #tpu.memory_space<vmem>> -> memref<128xi32, #tpu.memory_space<vmem>>
    %dma_wait3A_745 = arith.constant 0 : i32
    %dma_wait3A_746 = arith.constant 0 : i32
    %dma_wait3A_747 = tpu.memref_slice %arg3[%dma_wait3A_745, %dma_wait3A_746] : memref<100000x128xf32, #tpu.memory_space<hbm>> -> memref<100000x128xf32, #tpu.memory_space<hbm>>
    tpu.wait_indirect_dma semaphore(%arg12 : memref<!tpu.dma_semaphore, #tpu.memory_space<semaphore_mem>>) src(%dma_wait3A_747 : memref<100000x128xf32, #tpu.memory_space<hbm>>) dst(%arg10 : memref<128x128xf32, #tpu.memory_space<vmem>>)
    %add3A_748 = arith.constant 256 : i32
    %add3A_749 = arith.addi %mul3A_2, %add3A_748 : i32
    %dma_start3A_750 = arith.constant 0 : i32
    %dma_start3A_751 = arith.constant 64 : i32
    %dma_start3A_752 = tpu.memref_slice %arg10[%dma_start3A_750, %dma_start3A_751] : memref<128x128xf32, #tpu.memory_space<vmem>> -> memref<128x64xf32, #tpu.memory_space<vmem>>
    %dma_start3A_753 = arith.constant 64 : i32
    %dma_start3A_754 = tpu.memref_slice %arg5[%add3A_749, %dma_start3A_753] : memref<16384x128xf32, #tpu.memory_space<hbm>> -> memref<128x64xf32, #tpu.memory_space<hbm>>
    %dma_start3A_755 = arith.constant 64 : i32
    %dma_start3A_756 = tpu.memref_slice %arg5[%add3A_749, %dma_start3A_755] : memref<16384x128xf32, #tpu.memory_space<hbm>> -> memref<128x64xf32, #tpu.memory_space<hbm>>
    %dma_start3A_757 = arith.constant 0 : i32
    %dma_start3A_758 = arith.constant 64 : i32
    %dma_start3A_759 = tpu.memref_slice %arg10[%dma_start3A_757, %dma_start3A_758] : memref<128x128xf32, #tpu.memory_space<vmem>> -> memref<128x64xf32, #tpu.memory_space<vmem>>
    tpu.enqueue_dma source(%dma_start3A_759 : memref<128x64xf32, #tpu.memory_space<vmem>>) target(%dma_start3A_756 : memref<128x64xf32, #tpu.memory_space<hbm>>) target_semaphore(%arg14 : memref<!tpu.dma_semaphore, #tpu.memory_space<semaphore_mem>>)
    %dma_wait3A_760 = arith.constant 0 : i32
    %dma_wait3A_761 = arith.constant 64 : i32
    %dma_wait3A_762 = tpu.memref_slice %arg10[%dma_wait3A_760, %dma_wait3A_761] : memref<128x128xf32, #tpu.memory_space<vmem>> -> memref<128x64xf32, #tpu.memory_space<vmem>>
    %dma_wait3A_763 = arith.constant 64 : i32
    %dma_wait3A_764 = tpu.memref_slice %arg5[%add3A_749, %dma_wait3A_763] : memref<16384x128xf32, #tpu.memory_space<hbm>> -> memref<128x64xf32, #tpu.memory_space<hbm>>
    %dma_wait3A_765 = arith.constant 64 : i32
    %dma_wait3A_766 = tpu.memref_slice %arg5[%add3A_749, %dma_wait3A_765] : memref<16384x128xf32, #tpu.memory_space<hbm>> -> memref<128x64xf32, #tpu.memory_space<hbm>>
    %dma_wait3A_767 = arith.constant 0 : i32
    %dma_wait3A_768 = arith.constant 64 : i32
    %dma_wait3A_769 = tpu.memref_slice %arg10[%dma_wait3A_767, %dma_wait3A_768] : memref<128x128xf32, #tpu.memory_space<vmem>> -> memref<128x64xf32, #tpu.memory_space<vmem>>
    tpu.wait_dma2 semaphore(%arg14 : memref<!tpu.dma_semaphore, #tpu.memory_space<semaphore_mem>>) src(%dma_wait3A_769 : memref<128x64xf32, #tpu.memory_space<vmem>>) dst(%dma_wait3A_766 : memref<128x64xf32, #tpu.memory_space<hbm>>)
    %dma_start3A_770 = arith.constant 0 : i32
    %dma_start3A_771 = tpu.memref_slice %arg9[%dma_start3A_770] : memref<512xi32, #tpu.memory_space<vmem>> -> memref<128xi32, #tpu.memory_space<vmem>>
    %dma_start3A_772 = arith.constant 0 : i32
    %dma_start3A_773 = arith.constant 0 : i32
    %dma_start3A_774 = tpu.memref_slice %arg4[%dma_start3A_772, %dma_start3A_773] : memref<53248x128xf32, #tpu.memory_space<hbm>> -> memref<53248x128xf32, #tpu.memory_space<hbm>>
    tpu.enqueue_indirect_dma source(%dma_start3A_774 : memref<53248x128xf32, #tpu.memory_space<hbm>>) target(%arg10 : memref<128x128xf32, #tpu.memory_space<vmem>>) offsets(%dma_start3A_771 : memref<128xi32, #tpu.memory_space<vmem>>) semaphore(%arg12 : memref<!tpu.dma_semaphore, #tpu.memory_space<semaphore_mem>>)
    %dma_wait3A_775 = arith.constant 384 : i32
    %dma_wait3A_776 = tpu.memref_slice %arg8[%dma_wait3A_775] : memref<512xi32, #tpu.memory_space<vmem>> -> memref<128xi32, #tpu.memory_space<vmem>>
    %dma_wait3A_777 = arith.constant 0 : i32
    %dma_wait3A_778 = arith.constant 0 : i32
    %dma_wait3A_779 = tpu.memref_slice %arg3[%dma_wait3A_777, %dma_wait3A_778] : memref<100000x128xf32, #tpu.memory_space<hbm>> -> memref<100000x128xf32, #tpu.memory_space<hbm>>
    tpu.wait_indirect_dma semaphore(%arg13 : memref<!tpu.dma_semaphore, #tpu.memory_space<semaphore_mem>>) src(%dma_wait3A_779 : memref<100000x128xf32, #tpu.memory_space<hbm>>) dst(%arg11 : memref<128x128xf32, #tpu.memory_space<vmem>>)
    %add3A_780 = arith.constant 384 : i32
    %add3A_781 = arith.addi %mul3A_2, %add3A_780 : i32
    %dma_start3A_782 = arith.constant 0 : i32
    %dma_start3A_783 = arith.constant 64 : i32
    %dma_start3A_784 = tpu.memref_slice %arg11[%dma_start3A_782, %dma_start3A_783] : memref<128x128xf32, #tpu.memory_space<vmem>> -> memref<128x64xf32, #tpu.memory_space<vmem>>
    %dma_start3A_785 = arith.constant 64 : i32
    %dma_start3A_786 = tpu.memref_slice %arg5[%add3A_781, %dma_start3A_785] : memref<16384x128xf32, #tpu.memory_space<hbm>> -> memref<128x64xf32, #tpu.memory_space<hbm>>
    %dma_start3A_787 = arith.constant 64 : i32
    %dma_start3A_788 = tpu.memref_slice %arg5[%add3A_781, %dma_start3A_787] : memref<16384x128xf32, #tpu.memory_space<hbm>> -> memref<128x64xf32, #tpu.memory_space<hbm>>
    %dma_start3A_789 = arith.constant 0 : i32
    %dma_start3A_790 = arith.constant 64 : i32
    %dma_start3A_791 = tpu.memref_slice %arg11[%dma_start3A_789, %dma_start3A_790] : memref<128x128xf32, #tpu.memory_space<vmem>> -> memref<128x64xf32, #tpu.memory_space<vmem>>
    tpu.enqueue_dma source(%dma_start3A_791 : memref<128x64xf32, #tpu.memory_space<vmem>>) target(%dma_start3A_788 : memref<128x64xf32, #tpu.memory_space<hbm>>) target_semaphore(%arg15 : memref<!tpu.dma_semaphore, #tpu.memory_space<semaphore_mem>>)
    %dma_wait3A_792 = arith.constant 0 : i32
    %dma_wait3A_793 = arith.constant 64 : i32
    %dma_wait3A_794 = tpu.memref_slice %arg11[%dma_wait3A_792, %dma_wait3A_793] : memref<128x128xf32, #tpu.memory_space<vmem>> -> memref<128x64xf32, #tpu.memory_space<vmem>>
    %dma_wait3A_795 = arith.constant 64 : i32
    %dma_wait3A_796 = tpu.memref_slice %arg5[%add3A_781, %dma_wait3A_795] : memref<16384x128xf32, #tpu.memory_space<hbm>> -> memref<128x64xf32, #tpu.memory_space<hbm>>
    %dma_wait3A_797 = arith.constant 64 : i32
    %dma_wait3A_798 = tpu.memref_slice %arg5[%add3A_781, %dma_wait3A_797] : memref<16384x128xf32, #tpu.memory_space<hbm>> -> memref<128x64xf32, #tpu.memory_space<hbm>>
    %dma_wait3A_799 = arith.constant 0 : i32
    %dma_wait3A_800 = arith.constant 64 : i32
    %dma_wait3A_801 = tpu.memref_slice %arg11[%dma_wait3A_799, %dma_wait3A_800] : memref<128x128xf32, #tpu.memory_space<vmem>> -> memref<128x64xf32, #tpu.memory_space<vmem>>
    tpu.wait_dma2 semaphore(%arg15 : memref<!tpu.dma_semaphore, #tpu.memory_space<semaphore_mem>>) src(%dma_wait3A_801 : memref<128x64xf32, #tpu.memory_space<vmem>>) dst(%dma_wait3A_798 : memref<128x64xf32, #tpu.memory_space<hbm>>)
    %dma_start3A_802 = arith.constant 128 : i32
    %dma_start3A_803 = tpu.memref_slice %arg9[%dma_start3A_802] : memref<512xi32, #tpu.memory_space<vmem>> -> memref<128xi32, #tpu.memory_space<vmem>>
    %dma_start3A_804 = arith.constant 0 : i32
    %dma_start3A_805 = arith.constant 0 : i32
    %dma_start3A_806 = tpu.memref_slice %arg4[%dma_start3A_804, %dma_start3A_805] : memref<53248x128xf32, #tpu.memory_space<hbm>> -> memref<53248x128xf32, #tpu.memory_space<hbm>>
    tpu.enqueue_indirect_dma source(%dma_start3A_806 : memref<53248x128xf32, #tpu.memory_space<hbm>>) target(%arg11 : memref<128x128xf32, #tpu.memory_space<vmem>>) offsets(%dma_start3A_803 : memref<128xi32, #tpu.memory_space<vmem>>) semaphore(%arg13 : memref<!tpu.dma_semaphore, #tpu.memory_space<semaphore_mem>>)
    %dma_wait3A_807 = arith.constant 0 : i32
    %dma_wait3A_808 = tpu.memref_slice %arg9[%dma_wait3A_807] : memref<512xi32, #tpu.memory_space<vmem>> -> memref<128xi32, #tpu.memory_space<vmem>>
    %dma_wait3A_809 = arith.constant 0 : i32
    %dma_wait3A_810 = arith.constant 0 : i32
    %dma_wait3A_811 = tpu.memref_slice %arg4[%dma_wait3A_809, %dma_wait3A_810] : memref<53248x128xf32, #tpu.memory_space<hbm>> -> memref<53248x128xf32, #tpu.memory_space<hbm>>
    tpu.wait_indirect_dma semaphore(%arg12 : memref<!tpu.dma_semaphore, #tpu.memory_space<semaphore_mem>>) src(%dma_wait3A_811 : memref<53248x128xf32, #tpu.memory_space<hbm>>) dst(%arg10 : memref<128x128xf32, #tpu.memory_space<vmem>>)
    %add3A_812 = arith.constant 0 : i32
    %add3A_813 = arith.addi %mul3A_2, %add3A_812 : i32
    %dma_start3A_814 = arith.constant 0 : i32
    %dma_start3A_815 = tpu.memref_slice %arg6[%add3A_813, %dma_start3A_814] : memref<16384x128xf32, #tpu.memory_space<hbm>> -> memref<128x128xf32, #tpu.memory_space<hbm>>
    %dma_start3A_816 = arith.constant 0 : i32
    %dma_start3A_817 = tpu.memref_slice %arg6[%add3A_813, %dma_start3A_816] : memref<16384x128xf32, #tpu.memory_space<hbm>> -> memref<128x128xf32, #tpu.memory_space<hbm>>
    tpu.enqueue_dma source(%arg10 : memref<128x128xf32, #tpu.memory_space<vmem>>) target(%dma_start3A_817 : memref<128x128xf32, #tpu.memory_space<hbm>>) target_semaphore(%arg14 : memref<!tpu.dma_semaphore, #tpu.memory_space<semaphore_mem>>)
    %dma_wait3A_818 = arith.constant 0 : i32
    %dma_wait3A_819 = tpu.memref_slice %arg6[%add3A_813, %dma_wait3A_818] : memref<16384x128xf32, #tpu.memory_space<hbm>> -> memref<128x128xf32, #tpu.memory_space<hbm>>
    %dma_wait3A_820 = arith.constant 0 : i32
    %dma_wait3A_821 = tpu.memref_slice %arg6[%add3A_813, %dma_wait3A_820] : memref<16384x128xf32, #tpu.memory_space<hbm>> -> memref<128x128xf32, #tpu.memory_space<hbm>>
    tpu.wait_dma2 semaphore(%arg14 : memref<!tpu.dma_semaphore, #tpu.memory_space<semaphore_mem>>) src(%arg10 : memref<128x128xf32, #tpu.memory_space<vmem>>) dst(%dma_wait3A_821 : memref<128x128xf32, #tpu.memory_space<hbm>>)
    %dma_start3A_822 = arith.constant 256 : i32
    %dma_start3A_823 = tpu.memref_slice %arg9[%dma_start3A_822] : memref<512xi32, #tpu.memory_space<vmem>> -> memref<128xi32, #tpu.memory_space<vmem>>
    %dma_start3A_824 = arith.constant 0 : i32
    %dma_start3A_825 = arith.constant 0 : i32
    %dma_start3A_826 = tpu.memref_slice %arg4[%dma_start3A_824, %dma_start3A_825] : memref<53248x128xf32, #tpu.memory_space<hbm>> -> memref<53248x128xf32, #tpu.memory_space<hbm>>
    tpu.enqueue_indirect_dma source(%dma_start3A_826 : memref<53248x128xf32, #tpu.memory_space<hbm>>) target(%arg10 : memref<128x128xf32, #tpu.memory_space<vmem>>) offsets(%dma_start3A_823 : memref<128xi32, #tpu.memory_space<vmem>>) semaphore(%arg12 : memref<!tpu.dma_semaphore, #tpu.memory_space<semaphore_mem>>)
    %dma_wait3A_827 = arith.constant 128 : i32
    %dma_wait3A_828 = tpu.memref_slice %arg9[%dma_wait3A_827] : memref<512xi32, #tpu.memory_space<vmem>> -> memref<128xi32, #tpu.memory_space<vmem>>
    %dma_wait3A_829 = arith.constant 0 : i32
    %dma_wait3A_830 = arith.constant 0 : i32
    %dma_wait3A_831 = tpu.memref_slice %arg4[%dma_wait3A_829, %dma_wait3A_830] : memref<53248x128xf32, #tpu.memory_space<hbm>> -> memref<53248x128xf32, #tpu.memory_space<hbm>>
    tpu.wait_indirect_dma semaphore(%arg13 : memref<!tpu.dma_semaphore, #tpu.memory_space<semaphore_mem>>) src(%dma_wait3A_831 : memref<53248x128xf32, #tpu.memory_space<hbm>>) dst(%arg11 : memref<128x128xf32, #tpu.memory_space<vmem>>)
    %add3A_832 = arith.constant 128 : i32
    %add3A_833 = arith.addi %mul3A_2, %add3A_832 : i32
    %dma_start3A_834 = arith.constant 0 : i32
    %dma_start3A_835 = tpu.memref_slice %arg6[%add3A_833, %dma_start3A_834] : memref<16384x128xf32, #tpu.memory_space<hbm>> -> memref<128x128xf32, #tpu.memory_space<hbm>>
    %dma_start3A_836 = arith.constant 0 : i32
    %dma_start3A_837 = tpu.memref_slice %arg6[%add3A_833, %dma_start3A_836] : memref<16384x128xf32, #tpu.memory_space<hbm>> -> memref<128x128xf32, #tpu.memory_space<hbm>>
    tpu.enqueue_dma source(%arg11 : memref<128x128xf32, #tpu.memory_space<vmem>>) target(%dma_start3A_837 : memref<128x128xf32, #tpu.memory_space<hbm>>) target_semaphore(%arg15 : memref<!tpu.dma_semaphore, #tpu.memory_space<semaphore_mem>>)
    %dma_wait3A_838 = arith.constant 0 : i32
    %dma_wait3A_839 = tpu.memref_slice %arg6[%add3A_833, %dma_wait3A_838] : memref<16384x128xf32, #tpu.memory_space<hbm>> -> memref<128x128xf32, #tpu.memory_space<hbm>>
    %dma_wait3A_840 = arith.constant 0 : i32
    %dma_wait3A_841 = tpu.memref_slice %arg6[%add3A_833, %dma_wait3A_840] : memref<16384x128xf32, #tpu.memory_space<hbm>> -> memref<128x128xf32, #tpu.memory_space<hbm>>
    tpu.wait_dma2 semaphore(%arg15 : memref<!tpu.dma_semaphore, #tpu.memory_space<semaphore_mem>>) src(%arg11 : memref<128x128xf32, #tpu.memory_space<vmem>>) dst(%dma_wait3A_841 : memref<128x128xf32, #tpu.memory_space<hbm>>)
    %dma_start3A_842 = arith.constant 384 : i32
    %dma_start3A_843 = tpu.memref_slice %arg9[%dma_start3A_842] : memref<512xi32, #tpu.memory_space<vmem>> -> memref<128xi32, #tpu.memory_space<vmem>>
    %dma_start3A_844 = arith.constant 0 : i32
    %dma_start3A_845 = arith.constant 0 : i32
    %dma_start3A_846 = tpu.memref_slice %arg4[%dma_start3A_844, %dma_start3A_845] : memref<53248x128xf32, #tpu.memory_space<hbm>> -> memref<53248x128xf32, #tpu.memory_space<hbm>>
    tpu.enqueue_indirect_dma source(%dma_start3A_846 : memref<53248x128xf32, #tpu.memory_space<hbm>>) target(%arg11 : memref<128x128xf32, #tpu.memory_space<vmem>>) offsets(%dma_start3A_843 : memref<128xi32, #tpu.memory_space<vmem>>) semaphore(%arg13 : memref<!tpu.dma_semaphore, #tpu.memory_space<semaphore_mem>>)
    %dma_wait3A_847 = arith.constant 256 : i32
    %dma_wait3A_848 = tpu.memref_slice %arg9[%dma_wait3A_847] : memref<512xi32, #tpu.memory_space<vmem>> -> memref<128xi32, #tpu.memory_space<vmem>>
    %dma_wait3A_849 = arith.constant 0 : i32
    %dma_wait3A_850 = arith.constant 0 : i32
    %dma_wait3A_851 = tpu.memref_slice %arg4[%dma_wait3A_849, %dma_wait3A_850] : memref<53248x128xf32, #tpu.memory_space<hbm>> -> memref<53248x128xf32, #tpu.memory_space<hbm>>
    tpu.wait_indirect_dma semaphore(%arg12 : memref<!tpu.dma_semaphore, #tpu.memory_space<semaphore_mem>>) src(%dma_wait3A_851 : memref<53248x128xf32, #tpu.memory_space<hbm>>) dst(%arg10 : memref<128x128xf32, #tpu.memory_space<vmem>>)
    %add3A_852 = arith.constant 256 : i32
    %add3A_853 = arith.addi %mul3A_2, %add3A_852 : i32
    %dma_start3A_854 = arith.constant 0 : i32
    %dma_start3A_855 = tpu.memref_slice %arg6[%add3A_853, %dma_start3A_854] : memref<16384x128xf32, #tpu.memory_space<hbm>> -> memref<128x128xf32, #tpu.memory_space<hbm>>
    %dma_start3A_856 = arith.constant 0 : i32
    %dma_start3A_857 = tpu.memref_slice %arg6[%add3A_853, %dma_start3A_856] : memref<16384x128xf32, #tpu.memory_space<hbm>> -> memref<128x128xf32, #tpu.memory_space<hbm>>
    tpu.enqueue_dma source(%arg10 : memref<128x128xf32, #tpu.memory_space<vmem>>) target(%dma_start3A_857 : memref<128x128xf32, #tpu.memory_space<hbm>>) target_semaphore(%arg14 : memref<!tpu.dma_semaphore, #tpu.memory_space<semaphore_mem>>)
    %dma_wait3A_858 = arith.constant 384 : i32
    %dma_wait3A_859 = tpu.memref_slice %arg9[%dma_wait3A_858] : memref<512xi32, #tpu.memory_space<vmem>> -> memref<128xi32, #tpu.memory_space<vmem>>
    %dma_wait3A_860 = arith.constant 0 : i32
    %dma_wait3A_861 = arith.constant 0 : i32
    %dma_wait3A_862 = tpu.memref_slice %arg4[%dma_wait3A_860, %dma_wait3A_861] : memref<53248x128xf32, #tpu.memory_space<hbm>> -> memref<53248x128xf32, #tpu.memory_space<hbm>>
    tpu.wait_indirect_dma semaphore(%arg13 : memref<!tpu.dma_semaphore, #tpu.memory_space<semaphore_mem>>) src(%dma_wait3A_862 : memref<53248x128xf32, #tpu.memory_space<hbm>>) dst(%arg11 : memref<128x128xf32, #tpu.memory_space<vmem>>)
    %add3A_863 = arith.constant 384 : i32
    %add3A_864 = arith.addi %mul3A_2, %add3A_863 : i32
    %dma_start3A_865 = arith.constant 0 : i32
    %dma_start3A_866 = tpu.memref_slice %arg6[%add3A_864, %dma_start3A_865] : memref<16384x128xf32, #tpu.memory_space<hbm>> -> memref<128x128xf32, #tpu.memory_space<hbm>>
    %dma_start3A_867 = arith.constant 0 : i32
    %dma_start3A_868 = tpu.memref_slice %arg6[%add3A_864, %dma_start3A_867] : memref<16384x128xf32, #tpu.memory_space<hbm>> -> memref<128x128xf32, #tpu.memory_space<hbm>>
    tpu.enqueue_dma source(%arg11 : memref<128x128xf32, #tpu.memory_space<vmem>>) target(%dma_start3A_868 : memref<128x128xf32, #tpu.memory_space<hbm>>) target_semaphore(%arg15 : memref<!tpu.dma_semaphore, #tpu.memory_space<semaphore_mem>>)
    %dma_wait3A_869 = arith.constant 0 : i32
    %dma_wait3A_870 = tpu.memref_slice %arg6[%add3A_853, %dma_wait3A_869] : memref<16384x128xf32, #tpu.memory_space<hbm>> -> memref<128x128xf32, #tpu.memory_space<hbm>>
    %dma_wait3A_871 = arith.constant 0 : i32
    %dma_wait3A_872 = tpu.memref_slice %arg6[%add3A_853, %dma_wait3A_871] : memref<16384x128xf32, #tpu.memory_space<hbm>> -> memref<128x128xf32, #tpu.memory_space<hbm>>
    tpu.wait_dma2 semaphore(%arg14 : memref<!tpu.dma_semaphore, #tpu.memory_space<semaphore_mem>>) src(%arg10 : memref<128x128xf32, #tpu.memory_space<vmem>>) dst(%dma_wait3A_872 : memref<128x128xf32, #tpu.memory_space<hbm>>)
    %dma_wait3A_873 = arith.constant 0 : i32
    %dma_wait3A_874 = tpu.memref_slice %arg6[%add3A_864, %dma_wait3A_873] : memref<16384x128xf32, #tpu.memory_space<hbm>> -> memref<128x128xf32, #tpu.memory_space<hbm>>
    %dma_wait3A_875 = arith.constant 0 : i32
    %dma_wait3A_876 = tpu.memref_slice %arg6[%add3A_864, %dma_wait3A_875] : memref<16384x128xf32, #tpu.memory_space<hbm>> -> memref<128x128xf32, #tpu.memory_space<hbm>>
    tpu.wait_dma2 semaphore(%arg15 : memref<!tpu.dma_semaphore, #tpu.memory_space<semaphore_mem>>) src(%arg11 : memref<128x128xf32, #tpu.memory_space<vmem>>) dst(%dma_wait3A_876 : memref<128x128xf32, #tpu.memory_space<hbm>>)
    return
  }
}

module attributes {stable_mosaic.version = 14 : i64} {
  func.func @_tc_repack_body(%arg0: i32, %arg1: memref<64x8192xf32, #tpu.memory_space<vmem>>, %arg2: memref<64x8192xf32, #tpu.memory_space<vmem>>, %arg3: memref<64x8192xf32, #tpu.memory_space<vmem>>, %arg4: memref<8192x128xf32, #tpu.memory_space<vmem>>, %arg5: memref<4096x128xf32, #tpu.memory_space<vmem>>) attributes {dimension_semantics = [#tpu.dimension_semantics<arbitrary>], iteration_bounds = array<i64: 13>, scalar_prefetch = 0 : i64, scratch_operands = 0 : i64, tpu.core_type = #tpu.core_type<tc>, window_params = [{transform_indices = @transform_0, window_bounds = array<i64: 64, 8192>}, {transform_indices = @transform_1, window_bounds = array<i64: 64, 8192>}, {transform_indices = @transform_2, window_bounds = array<i64: 64, 8192>}, {transform_indices = @transform_3, window_bounds = array<i64: 8192, 128>}, {transform_indices = @transform_4, window_bounds = array<i64: 4096, 128>}]} {
    %get3A = arith.constant 0 : index
    %get3A_0 = arith.constant 0 : index
    %get3A_1 = vector.load %arg1[%get3A, %get3A_0] : memref<64x8192xf32, #tpu.memory_space<vmem>>, vector<64x8192xf32>
    %get3A_2 = arith.constant 0 : index
    %get3A_3 = arith.constant 0 : index
    %get3A_4 = vector.load %arg2[%get3A_2, %get3A_3] : memref<64x8192xf32, #tpu.memory_space<vmem>>, vector<64x8192xf32>
    %concatenate3A = tpu.concatenate %get3A_1, %get3A_4 in 0 : vector<64x8192xf32>, vector<64x8192xf32> -> vector<128x8192xf32>
    %transpose3A = tpu.transpose %concatenate3A, [1, 0] : vector<128x8192xf32> -> vector<8192x128xf32>
    %swap3A = arith.constant 0 : index
    %swap3A_5 = arith.constant 0 : index
    %swap3A_6 = vector.load %arg4[%swap3A, %swap3A_5] : memref<8192x128xf32, #tpu.memory_space<vmem>>, vector<8192x128xf32>
    tpu.vector_store %arg4[%swap3A, %swap3A_5], %transpose3A {strides = array<i32>} : memref<8192x128xf32, #tpu.memory_space<vmem>>, vector<8192x128xf32>,
    %get3A_7 = arith.constant 0 : index
    %get3A_8 = arith.constant 0 : index
    %get3A_9 = vector.load %arg3[%get3A_7, %get3A_8] : memref<64x8192xf32, #tpu.memory_space<vmem>>, vector<64x4096xf32>
    %get3A_10 = arith.constant 0 : index
    %get3A_11 = arith.constant 4096 : index
    %get3A_12 = vector.load %arg3[%get3A_10, %get3A_11] : memref<64x8192xf32, #tpu.memory_space<vmem>>, vector<64x4096xf32>
    %concatenate3A_13 = tpu.concatenate %get3A_9, %get3A_12 in 0 : vector<64x4096xf32>, vector<64x4096xf32> -> vector<128x4096xf32>
    %transpose3A_14 = tpu.transpose %concatenate3A_13, [1, 0] : vector<128x4096xf32> -> vector<4096x128xf32>
    %swap3A_15 = arith.constant 0 : index
    %swap3A_16 = arith.constant 0 : index
    %swap3A_17 = vector.load %arg5[%swap3A_15, %swap3A_16] : memref<4096x128xf32, #tpu.memory_space<vmem>>, vector<4096x128xf32>
    tpu.vector_store %arg5[%swap3A_15, %swap3A_16], %transpose3A_14 {strides = array<i32>} : memref<4096x128xf32, #tpu.memory_space<vmem>>, vector<4096x128xf32>,
    return
  }
  func.func @transform_0(%arg0: i32) -> (i32, i32) {
    %c0_i32 = arith.constant 0 : i32
    %c0_i32_0 = arith.constant 0 : i32
    return %c0_i32, %arg0 : i32, i32
  }
  func.func @transform_1(%arg0: i32) -> (i32, i32) {
    %c0_i32 = arith.constant 0 : i32
    %c0_i32_0 = arith.constant 0 : i32
    return %c0_i32, %arg0 : i32, i32
  }
  func.func @transform_2(%arg0: i32) -> (i32, i32) {
    %c0_i32 = arith.constant 0 : i32
    %c0_i32_0 = arith.constant 0 : i32
    return %c0_i32, %arg0 : i32, i32
  }
  func.func @transform_3(%arg0: i32) -> (i32, i32) {
    %c0_i32 = arith.constant 0 : i32
    %c0_i32_0 = arith.constant 0 : i32
    return %arg0, %c0_i32 : i32, i32
  }
  func.func @transform_4(%arg0: i32) -> (i32, i32) {
    %c0_i32 = arith.constant 0 : i32
    %c0_i32_0 = arith.constant 0 : i32
    return %arg0, %c0_i32 : i32, i32
  }
}

module attributes {stable_mosaic.version = 14 : i64} {
  func.func @_tc_proj_body(%arg0: i32, %arg1: memref<3x1x8192xi32, #tpu.memory_space<vmem>>, %arg2: memref<8192x128xf32, #tpu.memory_space<vmem>>, %arg3: memref<8192x128xf32, #tpu.memory_space<vmem>>, %arg4: memref<192x64xf32, #tpu.memory_space<vmem>>, %arg5: memref<64x1xf32, #tpu.memory_space<vmem>>, %arg6: memref<64x8192xf32, #tpu.memory_space<vmem>>) attributes {dimension_semantics = [#tpu.dimension_semantics<arbitrary>], iteration_bounds = array<i64: 2>, scalar_prefetch = 0 : i64, scratch_operands = 0 : i64, tpu.core_type = #tpu.core_type<tc>, window_params = [{transform_indices = @transform_0, window_bounds = array<i64: 3, 1, 8192>}, {transform_indices = @transform_1, window_bounds = array<i64: 8192, 128>}, {transform_indices = @transform_2, window_bounds = array<i64: 8192, 128>}, {pipeline_mode = #tpu.pipeline_mode<synchronous>, transform_indices = @transform_3, window_bounds = array<i64: 192, 64>}, {pipeline_mode = #tpu.pipeline_mode<synchronous>, transform_indices = @transform_4, window_bounds = array<i64: 64, 1>}, {transform_indices = @transform_5, window_bounds = array<i64: 64, 8192>}]} {
    %get3A = arith.constant 2 : index
    %get3A_0 = arith.constant 0 : index
    %get3A_1 = arith.constant 0 : index
    %get3A_2 = vector.load %arg1[%get3A, %get3A_0, %get3A_1] : memref<3x1x8192xi32, #tpu.memory_space<vmem>>, vector<1x1x8192xi32>
    %get3A_3 = vector.shape_cast %get3A_2 : vector<1x1x8192xi32> to vector<8192xi32>
    %shift_right_arithmetic3A = arith.constant 12 : i32
    %shift_right_arithmetic3A_4 = vector.broadcast %shift_right_arithmetic3A : i32 to vector<8192xi32>
    %shift_right_arithmetic3A_5 = arith.shrsi %get3A_3, %shift_right_arithmetic3A_4 : vector<8192xi32>
    %and3A = arith.constant 1 : i32
    %and3A_6 = vector.broadcast %and3A : i32 to vector<8192xi32>
    %and3A_7 = arith.andi %shift_right_arithmetic3A_5, %and3A_6 : vector<8192xi32>
    %reshape3A = vector.shape_cast %and3A_7 : vector<8192xi32> to vector<8192x1xi32>
    %gt3A = arith.constant 0 : i32
    %gt3A_8 = vector.broadcast %gt3A : i32 to vector<8192x1xi32>
    %gt3A_9 = arith.cmpi sgt, %reshape3A, %gt3A_8 : vector<8192x1xi32>
    %get3A_10 = arith.constant 0 : index
    %get3A_11 = arith.constant 64 : index
    %get3A_12 = vector.load %arg3[%get3A_10, %get3A_11] : memref<8192x128xf32, #tpu.memory_space<vmem>>, vector<8192x64xf32>
    %get3A_13 = arith.constant 0 : index
    %get3A_14 = arith.constant 0 : index
    %get3A_15 = vector.load %arg3[%get3A_13, %get3A_14] : memref<8192x128xf32, #tpu.memory_space<vmem>>, vector<8192x64xf32>
    %broadcast_in_dim3A = vector.shape_cast %gt3A_9 : vector<8192x1xi1> to vector<8192x1xi1>
    %broadcast_in_dim3A_16 = vector.broadcast %broadcast_in_dim3A : vector<8192x1xi1> to vector<8192x64xi1>
    %select_n3A = arith.select %broadcast_in_dim3A_16, %get3A_12, %get3A_15 : vector<8192x64xi1>, vector<8192x64xf32>
    %get3A_17 = arith.constant 0 : index
    %get3A_18 = arith.constant 0 : index
    %get3A_19 = vector.load %arg4[%get3A_17, %get3A_18] : memref<192x64xf32, #tpu.memory_space<vmem>>, vector<128x64xf32>
    %get3A_20 = arith.constant 0 : index
    %get3A_21 = arith.constant 0 : index
    %get3A_22 = vector.load %arg2[%get3A_20, %get3A_21] : memref<8192x128xf32, #tpu.memory_space<vmem>>, vector<8192x128xf32>
    %dot_general3A = arith.constant dense<0.000000e+00> : vector<64x8192xf32>
    %dot_general3A_23 = tpu.matmul %get3A_19, %get3A_22, %dot_general3A {dimension_numbers = #tpu.dot_dimension_numbers<[0], [1], [1], [0], [0, 1, 1, 0], [], []>, transpose_lhs_hint = false} : vector<128x64xf32>, vector<8192x128xf32>, vector<64x8192xf32> -> vector<64x8192xf32>
    %get3A_24 = arith.constant 128 : index
    %get3A_25 = arith.constant 0 : index
    %get3A_26 = vector.load %arg4[%get3A_24, %get3A_25] : memref<192x64xf32, #tpu.memory_space<vmem>>, vector<64x64xf32>
    %dot_general3A_27 = arith.constant dense<0.000000e+00> : vector<64x8192xf32>
    %dot_general3A_28 = tpu.matmul %get3A_26, %select_n3A, %dot_general3A_27 {dimension_numbers = #tpu.dot_dimension_numbers<[0], [1], [1], [0], [0, 1, 1, 0], [], []>, transpose_lhs_hint = false} : vector<64x64xf32>, vector<8192x64xf32>, vector<64x8192xf32> -> vector<64x8192xf32>
    %add3A = arith.addf %dot_general3A_23, %dot_general3A_28 : vector<64x8192xf32>
    %mul3A = arith.constant 8.000000e+00 : f32
    %mul3A_29 = vector.broadcast %mul3A : f32 to vector<64x8192xf32>
    %mul3A_30 = arith.mulf %add3A, %mul3A_29 : vector<64x8192xf32>
    %get3A_31 = arith.constant 0 : index
    %get3A_32 = arith.constant 0 : index
    %get3A_33 = vector.load %arg5[%get3A_31, %get3A_32] : memref<64x1xf32, #tpu.memory_space<vmem>>, vector<64x1xf32>
    %add3A_34 = vector.broadcast %get3A_33 : vector<64x1xf32> to vector<64x8192xf32>
    %add3A_35 = arith.addf %mul3A_30, %add3A_34 : vector<64x8192xf32>
    %swap3A = arith.constant 0 : index
    %swap3A_36 = arith.constant 0 : index
    %swap3A_37 = vector.load %arg6[%swap3A, %swap3A_36] : memref<64x8192xf32, #tpu.memory_space<vmem>>, vector<64x8192xf32>
    tpu.vector_store %arg6[%swap3A, %swap3A_36], %add3A_35 {strides = array<i32>} : memref<64x8192xf32, #tpu.memory_space<vmem>>, vector<64x8192xf32>,
    return
  }
  func.func @transform_0(%arg0: i32) -> (i32, i32, i32) {
    %c0_i32 = arith.constant 0 : i32
    %c0_i32_0 = arith.constant 0 : i32
    %c0_i32_1 = arith.constant 0 : i32
    return %c0_i32, %c0_i32_0, %arg0 : i32, i32, i32
  }
  func.func @transform_1(%arg0: i32) -> (i32, i32) {
    %c0_i32 = arith.constant 0 : i32
    %c0_i32_0 = arith.constant 0 : i32
    return %arg0, %c0_i32 : i32, i32
  }
  func.func @transform_2(%arg0: i32) -> (i32, i32) {
    %c0_i32 = arith.constant 0 : i32
    %c0_i32_0 = arith.constant 0 : i32
    return %arg0, %c0_i32 : i32, i32
  }
  func.func @transform_3(%arg0: i32) -> (i32, i32) {
    %c0_i32 = arith.constant 0 : i32
    %c0_i32_0 = arith.constant 0 : i32
    %c0_i32_1 = arith.constant 0 : i32
    return %c0_i32, %c0_i32_0 : i32, i32
  }
  func.func @transform_4(%arg0: i32) -> (i32, i32) {
    %c0_i32 = arith.constant 0 : i32
    %c0_i32_0 = arith.constant 0 : i32
    %c0_i32_1 = arith.constant 0 : i32
    return %c0_i32, %c0_i32_0 : i32, i32
  }
  func.func @transform_5(%arg0: i32) -> (i32, i32) {
    %c0_i32 = arith.constant 0 : i32
    %c0_i32_0 = arith.constant 0 : i32
    return %c0_i32, %arg0 : i32, i32
  }
}

</mosaic_0001>

<sc_bundles>
// kernel: kernel.5.cloned.1.call-start
scs
__scs_entry_jumppad:
0x0: {  	(pc) =	sbr.rel $0x88, $3  }
0x1: {  	(tag) =	ssettag $0x0;
	lr =	simm.s32 $0x1  }
0x2: {  	[smem:$0x3F9B] =	sst lr;
	_ =	strace $0xD0000000  }
0x3: {  	_ = 	snop  }
0x4: {  	_ = 	snop  }
0x5: {  	_ = 	snop  }
0x6: {  	_ = 	snop  }
0x7: {  	_ = 	snop  }
__scs_overlays_trampoline_lowered:
0x8: {  	[smem:$0x3FAA] =	sst s0  }
0x9: {  	[smem:$0x3FAB] =	sst s1  }
0xa: {  	[smem:$0x3FAC] =	sst s2  }
0xb: {  	[smem:$0x3FAD] =	sst s3  }
0xc: {  	[smem:$0x3FAE] =	sst s4  }
0xd: {  	[smem:$0x3FAF] =	sst s5  }
0xe: {  	[smem:$0x3FB0] =	sst s6  }
0xf: {  	[smem:$0x3FB1] =	sst s7  }
0x10: {  	[smem:$0x3FB2] =	sst s8  }
0x11: {  	[smem:$0x3FB3] =	sst s9;
	s0 =	simm.s32 @!p0 $0x0  }
0x12: {  	s1 =	sld [smem:$0x3F99];
	s0 =	simm.s32 @p0 $0x1  }
0x13: {  	[smem:$0x3FB4] =	sst s0;
	s0 =	simm.s32 @!p1 $0x0  }
0x14: {  	s2 =	sld [smem:$0x3F98];
	s0 =	simm.s32 @p1 $0x1  }
0x15: {  	[smem:$0x3FB5] =	sst s0;
	s0 =	simm.s32 @!p2 $0x0  }
0x16: {  	s3 =	sld [smem:$0x3FDB];
	s0 =	simm.s32 @p2 $0x1  }
0x17: {  	s4 =	simm.s32 $0x1BF5;
	[smem:$0x3FB7] =	sst s0  }
0x18: {  	s0 =	sld [smem:$0x3F9A];
	_ =	swait.ge [sflag:s4], $0x0  }
0x19: {  	s7 =	sld [smem:$0x3F9B]  }
0x1a: {  	s8 =	sadd.s32 $0xFFFFE003, lr  }
0x1b: {  	s9 =	sadd.s32 $0xFFFFFEF7, lr;
	s5 =	simm.s32 $0xFFFFFFFF;
	p2 =	slt.u32 s8, $0xFFFFF086  }
0x1c: {  	p1 =	slt.u32 s9, $0xF7A;
	s5 =	simm.s32 @!p2 $0x0  }
0x1d: {  	s5 =	simm.s32 @p1 $0x1;
	p0 =	seq.s32 s7, s2  }
0x1e: {  	s7 =	smul.u32 @!p0 $0xF7A, s2;
	p2 =	seq.s32 @!p0 s5, $0x0  }
0x1f: {  	s9 =	smul.u32 $0xF7A, s1;
	s8 =	simm.s32 @!p0 $0x1BF5;
	p2 =	por !p2, p0  }
0x20: {  	[sflag:s8] =	ssyncset.s32 @!p0 $0xFFFFF086;
	s6 =	sadd.s32 @!p0 s3, s7;
	s7 =	simm.s32 @!p0 $0x108  }
0x21: {  	s3 =	sadd.s32 s3, s9;
	s6 =	sadd.s32 @!p0 $0x88, s6;
	s7 =	simm.s32 @p2 $0x1082  }
0x22: {  	[simem:s7], [sflag:s8] =	dma.local @!p0 [hbm:s6], $0xF7A  }
0x23: {  	s9 =	sor.u32 $0xD0000000, s2;
	s6 =	simm.s32 $0x108;
	_ =	swait.ge @!p0 [sflag:s8], $0x0  }
0x24: {  	s3 =	sadd.s32 $0x88, s3;
	s6 =	simm.s32 @!p1 $0x1082;
	[sflag:s4] =	ssyncset.s32 $0xFFFFF086  }
0x25: {  	[simem:s6], [sflag:s4] =	dma.local [hbm:s3], $0xF7A  }
0x26: {  	[smem:$0x3F9B] =	sst s1;
	(tag) =	ssettag s2;
	_ =	strace s9  }
0x27: {  	s1 =	sld [smem:$0x3FAB]  }
0x28: {  	s2 =	sld [smem:$0x3FAC]  }
0x29: {  	s4 =	sld [smem:$0x3FAE]  }
0x2a: {  	p0 =	seq.s32 s5, $0x0;
	s5 =	sld [smem:$0x3FAF]  }
0x2b: {  	s6 =	sld [smem:$0x3FB0]  }
0x2c: {  	s7 =	sld [smem:$0x3FB1]  }
0x2d: {  	s3 =	simm.s32 $0x108;
	s8 =	sld [smem:$0x3FB2]  }
0x2e: {  	s3 =	simm.s32 @!p0 $0x1082;
	s9 =	sld [smem:$0x3FB3]  }
0x2f: {  	lr =	sadd.s32 s0, s3;
	s0 =	sld [smem:$0x3FAA]  }
0x30: {  	s3 =	sld [smem:$0x3FAD]  }
0x31: {  	[smem:$0x3FB6] =	sst s10  }
0x32: {  	s10 =	sld [smem:$0x3FB4];
	_ =	sdelay $0x3  }
0x33: {  	p0 =	seq.s32 s10, $0x1;
	s10 =	sld [smem:$0x3FB6];
	_ =	sdelay $0x3  }
0x34: {  	[smem:$0x3FB6] =	sst s10  }
0x35: {  	s10 =	sld [smem:$0x3FB5];
	_ =	sdelay $0x3  }
0x36: {  	p1 =	seq.s32 s10, $0x1;
	s10 =	sld [smem:$0x3FB6];
	_ =	sdelay $0x3  }
0x37: {  	[smem:$0x3FB6] =	sst s10  }
0x38: {  	s10 =	sld [smem:$0x3FB7]  }
0x39: {  	_ = 	snop;
	(pc) =	sbr.ind lr, $3  }
0x3a: {  	_ = 	snop  }
0x3b: {  	_ = 	snop  }
0x3c: {  	p2 =	seq.s32 s10, $0x1;
	s10 =	sld [smem:$0x3FB6]  }
0x3d: {  	_ =	shalt  }
0x3e: {  	_ =	shalt  }
0x3f: {  	_ =	shalt  }
0x40: {  	_ =	shalt  }
0x41: {  	_ =	shalt  }
0x42: {  	_ =	shalt  }
0x43: {  	_ =	shalt  }
0x44: {  	_ =	shalt  }
0x45: {  	_ =	shalt  }
0x46: {  	_ =	shalt  }
0x47: {  	_ =	shalt  }
0x48: {  	_ =	shalt  }
0x49: {  	_ =	shalt  }
0x4a: {  	_ =	shalt  }
0x4b: {  	_ =	shalt  }
0x4c: {  	_ =	shalt  }
0x4d: {  	_ =	shalt  }
0x4e: {  	_ =	shalt  }
0x4f: {  	_ =	shalt  }
0x50: {  	_ =	shalt  }
0x51: {  	_ =	shalt  }
0x52: {  	_ =	shalt  }
0x53: {  	_ =	shalt  }
0x54: {  	_ =	shalt  }
0x55: {  	_ =	shalt  }
0x56: {  	_ =	shalt  }
0x57: {  	_ =	shalt  }
0x58: {  	_ =	shalt  }
0x59: {  	_ =	shalt  }
0x5a: {  	_ =	shalt  }
0x5b: {  	_ =	shalt  }
0x5c: {  	_ =	shalt  }
0x5d: {  	_ =	shalt  }
0x5e: {  	_ =	shalt  }
0x5f: {  	_ =	shalt  }
0x60: {  	_ =	shalt  }
0x61: {  	_ =	shalt  }
0x62: {  	_ =	shalt  }
0x63: {  	_ =	shalt  }
0x64: {  	_ =	shalt  }
0x65: {  	_ =	shalt  }
0x66: {  	_ =	shalt  }
0x67: {  	_ =	shalt  }
0x68: {  	_ =	shalt  }
0x69: {  	_ =	shalt  }
0x6a: {  	_ =	shalt  }
0x6b: {  	_ =	shalt  }
0x6c: {  	_ =	shalt  }
0x6d: {  	_ =	shalt  }
0x6e: {  	_ =	shalt  }
0x6f: {  	_ =	shalt  }
0x70: {  	_ =	shalt  }
0x71: {  	_ =	shalt  }
0x72: {  	_ =	shalt  }
0x73: {  	_ =	shalt  }
0x74: {  	_ =	shalt  }
0x75: {  	_ =	shalt  }
0x76: {  	_ =	shalt  }
0x77: {  	_ =	shalt  }
0x78: {  	_ =	shalt  }
0x79: {  	_ =	shalt  }
0x7a: {  	_ =	shalt  }
0x7b: {  	_ =	shalt  }
0x7c: {  	_ =	shalt  }
0x7d: {  	_ =	shalt  }
0x7e: {  	_ =	shalt  }
0x7f: {  	_ =	shalt  }
0x80: {  	_ =	shalt  }
0x81: {  	_ =	shalt  }
0x82: {  	_ =	shalt  }
0x83: {  	_ =	shalt  }
0x84: {  	_ =	shalt  }
0x85: {  	_ =	shalt  }
0x86: {  	_ =	shalt  }
0x87: {  	_ =	shalt  }
.Lfunc_end0:
.L_simem_size_0:
called_computation_lowered:
.L_overlay_start_0:
0x88: {  	s2 =	sld [smem:$0x3FD9]  }
0x89: {  	s3 =	sld [smem:$0x3FFE];
	_ =	sdelay $0x1  }
0x8a: {  	s1 =	srdreg.scid  }
0x8b: {  	s0 =	sand.u32 $0x1, s1  }
0x8c: {  	s17 =	sshll.u32 s0, $0xA;
	s2 =	sadd.s32 s3, s2  }
0x8d: {  	s2 =	sadd.s32 s2, s17  }
0x8e: {  	[smem:$0x3FC2] =	sst s2  }
0x8f: {  	_ = 	snop  }
0x90: {  	s2 =	sld [smem:$0x3FD0];
	(tm) =	ssettm $0x1  }
0x91: {  	s18 =	sld [smem:$0x3FFB];
	_ =	sdelay $0x3  }
0x92: {  	_ =	strace s18  }
0x93: {  	s3 =	sld [smem:$0x3FFC];
	_ =	sdelay $0x3  }
0x94: {  	_ =	strace s3  }
0x95: {  	s3 =	sld [smem:$0x3FFD];
	_ =	sdelay $0x3  }
0x96: {  	_ =	strace s3  }
0x97: {  	_ =	strace $0x8FFFFFFF  }
0x98: {  	s19 =	sld [smem:$0x3FDB];
	_ =	sdelay $0x1  }
0x99: {  	s4 =	simm.s32 $_scs_section_size  }
0x9a: {  	s5 =	simm.s32 $_size__tile_overlayer_lowered;
	s6 =	simm.s32 $_tile_overlayer_lowered  }
0x9b: {  	s22 =	simm.s32 $0x1BFF;
	s21 =	sshll.u32 s6, $0x1;
	s3 =	sadd.s32 s4, s19  }
0x9c: {  	s7 =	simm.s32 $0x0;
	s20 =	sshll.u32 s5, $0x1;
	s5 =	sadd.s32 s21, s3  }
0x9d: {  	[timem:s7], [sflag:s22] =	dma.local [hbm:s5], s20  }
0x9e: {  	_ =	swait.ge [sflag:s22], s20  }
0x9f: {  	s4 =	ssub.s32 $0x0, s20;
	[sflag:s22] =	ssyncset.done $0x0  }
0xa0: {  	[sflag:s22] =	ssyncadd.s32 s4;
	_ =	sdelay $0x1  }
0xa1: {  	s23 =	simm.s32 $0x1B8B  }
0xa2: {  	_ =	swait.ge [sflag:s23], $0x1  }
0xa3: {  	[sflag:s23] =	ssyncset.done $0x0  }
0xa4: {  	s25 =	simm.s32 $0x1B8E;
	s24 =	sld [smem:$0x3FFE];
	[sflag:s23] =	ssyncadd.s32 $0xFFFFFFFF  }
0xa5: {  	s26 =	simm.s32 $execute0_lowered;
	[smem:$0x3FD2] =	sst s25  }
0xa6: {  	s5 =	sshll.u32 s26, $0x1;
	_ =	strace $0x80000046;
	[dreg:$0x1] =	wrdreg $0xFFFFFFFF  }
0xa7: {  	s28 =	simm.s32 $_size_execute0_lowered;
	s3 =	sadd.s32 s3, s5;
	[dreg:$0x0] =	wrdreg $0x0  }
0xa8: {  	s5 =	sshll.u32 s28, $0x1;
	[dreg:$0x2] =	wrdreg s3  }
0xa9: {  	[dreg:$0x3] =	wrdreg s5  }
0xaa: {  	[dreg:$0x4] =	wrdreg $0xC0  }
0xab: {  	_ =	task [dreg:s7], $0x5FFFF  }
0xac: {  	[dreg:$0x1] =	wrdreg $0xFFFFFFFF  }
0xad: {  	[dreg:$0x0] =	wrdreg $0x60  }
0xae: {  	[dreg:$0x2] =	wrdreg s2  }
0xaf: {  	[dreg:$0x3] =	wrdreg s24  }
0xb0: {  	[dreg:$0x4] =	wrdreg $0x9  }
0xb1: {  	_ =	task.clear_ibuf [dreg:s7], $0x5FFFF;
	_ =	strace $0x90000046  }
0xb2: {  	s29 =	simm.s32 $0x9;
	_ =	strace $0x80000048  }
0xb3: {  	_ =	swait.ge [sflag:s29], $0x1  }
0xb4: {  	[sflag:s29] =	ssyncadd.s32 $0xFFFFFFFF  }
0xb5: {  	_ =	strace $0x90000048  }
0xb6: {  	_ =	sfence  }
0xb7: {  	s30 =	sld [smem:$0x0];
	_ =	sdelay $0x2  }
0xb8: {  	s31 =	sshll.u32 s1, $0xD;
	s1 =	sshrl.u32 s1, $0x2  }
0xb9: {  	s3 =	sand.u32 $0x4000, s31;
	s1 =	sadd.s32 s1, s30  }
0xba: {  	s0 =	sor.u32 s3, s0;
	s1 =	sshll.u32 s1, $0x11  }
0xbb: {  	s0 =	sor.u32 s1, s0  }
0xbc: {  	s0 =	sadd.s32 $0x8F2B, s0  }
0xbd: {  	[sflag:s0] =	ssyncadd.remote.s32 $0x1  }
0xbe: {  	_ =	sfence.sel $0xFFFF  }
0xbf: {  	[dreg:$0x0] =	wrdreg $0xFFFFFFFF;
	(pc) =	sbr.abs _section_cstart, $3  }
0xc0: {  	[dreg:$0x1] =	wrdreg $0xFFFFFFFF  }
0xc1: {  	_ =	task.clear_ibuf [dreg:s7], $0x2FFFF;
	_ =	strace $0x9FFFFFFF  }
0xc2: {  	(tm) =	ssettm $0x7FFFFFFF  }
0xc3: {  	_ =	shalt  }
tec
execute0_lowered:
.L_overlay_start_1:
0x0: {  	(tag) =	ssettag $0x1  }
0x1: {  	s0 =	rddreg [dreg:$0x0]  }
0x2: {  	s1 =	rddreg [dreg:$0x1];
	s2 =	simm.s32 $0x0  }
0x3: {  	s3 =	srdreg.scid;
	s4 =	stileid.u32;
	s21 =	simm.s32 $0x5  }
0x4: {  	s28 =	simm.s32 $0x3;
	s30 =	simm.s32 $0x600;
	s31 =	simm.s32 $0x2  }
0x5: {  	s29 =	simm.s32 $0x0;
	[smem:$0x7FF] =	sst s2;
	s6 =	sshll.u32 s4, $0xA  }
0x6: {  	s5 =	sand.u32 $0x1, s3;
	s4 =	sadd.s32 $0x187E00, s1;
	s22 =	sadd.s32 $0x257E00, s1  }
0x7: {  	s3 =	sadd.s32 $0x1400, s1;
	s1 =	sadd.s32 $0x297E00, s1;
	s7 =	sshll.u32 s5, $0x9  }
0x8: {  	_ =	strace $0x80000047;
	s8 =	ssub.s32 $0x2, s5;
	s6 =	sor.u32 s7, s6  }
0x9: {  	s9 =	sshrl.u32 s8, $0x1;
	s23 =	sshrl.u32 s6, $0x3;
	s6 =	sshll.u32 s6, $0x4  }
0xa: {  	s24 =	ssub.s32 s8, s9;
	s5 =	sadd.s32 s0, s23;
	s8 =	sadd.s32 s22, s6  }
0xb: {  	s17 =	sor.u32 $0x800, s6;
	s18 =	sor.u32 $0x1000, s6;
	s19 =	sor.u32 $0x1800, s6  }
0xc: {  	s16 =	sadd.s32 s1, s6;
	s20 =	smax.u32 s24, $0x1;
	s23 =	simm.s32 $0x400  }
0xd: {  	s24 =	simm.s32 $0x80;
	s0 =	simm.s32 $0x4;
	s25 =	sadd.s32 $0x800, s5  }
0xe: {  	s26 =	sadd.s32 $0x1000, s5;
	s9 =	sadd.s32 s22, s17;
	s10 =	sadd.s32 s22, s18  }
0xf: {  	s11 =	sadd.s32 s22, s19;
	s12 =	sadd.s32 $0x8, s8;
	s13 =	sadd.s32 $0x808, s8  }
0x10: {  	s14 =	sadd.s32 $0x1008, s8;
	s15 =	sadd.s32 $0x1808, s8;
	s17 =	sadd.s32 s1, s17  }
0x11: {  	s18 =	sadd.s32 s1, s18;
	s19 =	sadd.s32 s1, s19;
	[dreg:$0x3] =	wrdreg s25  }
0x12: {  	[dreg:$0x4] =	wrdreg s26;
	s25 =	simm.s32 $0x4600;
	s26 =	simm.s32 $0x1  }
.LBB2_1:
0x13: {  	[tilespmem:s2], [sflag:$0x5] =	stream.linear.gather [hbm4b:s5+s2], $0x200, $0x38;
	[tilespmem:$0x8600] =	vst v63  }
0x14: {  	_ =	swait.ge [sflag:s21], $0x200  }
0x15: {  	[sflag:s21] =	ssyncset.done $0x0  }
0x16: {  	s6 =	simm.s32 $0x200;
	s1 =	rddreg [dreg:$0x3];
	[sflag:s21] =	ssyncadd.s32 $0xFFFFFE00  }
0x17: {  	[tilespmem:s6], [sflag:$0x5] =	stream.linear.gather [hbm4b:s1+s2], $0x200, $0x38;
	[tilespmem:$0x8600] =	vst v63  }
0x18: {  	_ =	swait.ge [sflag:s21], $0x200  }
0x19: {  	[sflag:s21] =	ssyncset.done $0x0  }
0x1a: {  	s22 =	rddreg [dreg:$0x4];
	[sflag:s21] =	ssyncadd.s32 $0xFFFFFE00  }
0x1b: {  	[tilespmem:s23], [sflag:$0x5] =	stream.linear.gather [hbm4b:s22+s2], $0x200, $0x38;
	[tilespmem:$0x8600] =	vst v63  }
0x1c: {  	_ =	swait.ge [sflag:s21], $0x200  }
0x1d: {  	[sflag:s21] =	ssyncset.done $0x0  }
0x1e: {  	[sflag:s21] =	ssyncadd.s32 $0xFFFFFE00  }
0x1f: {  	v0 =	vld [tilespmem:$0x400]  }
0x20: {  	v1 =	vld [tilespmem:$0x410]  }
0x21: {  	v2 =	vld [tilespmem:$0x420]  }
0x22: {  	v3 =	vld [tilespmem:$0x430]  }
0x23: {  	v5 =	vld [tilespmem:$0x440]  }
0x24: {  	v7 =	vld [tilespmem:$0x450]  }
0x25: {  	v8 =	vld [tilespmem:$0x460]  }
0x26: {  	v63 =	vld [tilespmem:$0x470]  }
0x27: {  	v10 =	vld [tilespmem:$0x480]  }
0x28: {  	v11 =	vld [tilespmem:$0x490]  }
0x29: {  	v20 =	vld [tilespmem:$0x4A0]  }
0x2a: {  	v13 =	vld [tilespmem:$0x4B0];
	v4 =	vshra.s32 v0, $0x1  }
0x2b: {  	v14 =	vld [tilespmem:$0x4C0];
	v0 =	vand.u32 $0xFFF, v0;
	v6 =	vshra.s32 v1, $0x1;
	v61 =	vshra.s32 v2, $0x1  }
0x2c: {  	v25 =	vld [tilespmem:$0x4D0];
	v1 =	vand.u32 $0xFFF, v1;
	v2 =	vand.u32 $0xFFF, v2;
	v62 =	vshra.s32 v3, $0x1  }
0x2d: {  	v15 =	vld [tilespmem:$0x4E0];
	v3 =	vand.u32 $0xFFF, v3;
	v9 =	vshra.s32 v5, $0x1;
	v17 =	vshra.s32 v7, $0x1  }
0x2e: {  	v34 =	vld [tilespmem:$0x4F0];
	v5 =	vand.u32 $0xFFF, v5;
	v7 =	vand.u32 $0xFFF, v7;
	v19 =	vshra.s32 v8, $0x1  }
0x2f: {  	v37 =	vld [tilespmem:$0x500];
	v8 =	vand.u32 $0xFFF, v8;
	v12 =	vshra.s32 v63, $0x1;
	v22 =	vshra.s32 v10, $0x1  }
0x30: {  	v40 =	vld [tilespmem:$0x510];
	v10 =	vand.u32 $0xFFF, v10;
	v24 =	vshra.s32 v11, $0x1;
	v27 =	vand.u32 $0xFFF, v11  }
0x31: {  	v28 =	vshra.s32 v20, $0x1;
	v30 =	vshra.s32 v13, $0x1;
	v31 =	vand.u32 $0xFFF, v20  }
0x32: {  	v33 =	vand.u32 $0xFFF, v13;
	v36 =	vshra.s32 v14, $0x1;
	v38 =	vand.u32 $0xFFF, v14  }
0x33: {  	v39 =	vshra.s32 v25, $0x1;
	v42 =	vshra.s32 v15, $0x1;
	v43 =	vand.u32 $0xFFF, v25  }
0x34: {  	v45 =	vld [tilespmem:$0x520];
	v44 =	vand.u32 $0xFFF, v15;
	v46 =	vshra.s32 v34, $0x1;
	v48 =	vand.u32 $0xFFF, v34  }
0x35: {  	v47 =	vld [tilespmem:$0x530];
	v49 =	vshra.s32 v37, $0x1;
	v53 =	vshra.s32 v40, $0x1;
	v4 =	vand.u32 $0xFFFFF000, v4  }
0x36: {  	v50 =	vld [tilespmem:$0x540];
	v54 =	vand.u32 $0xFFF, v37;
	v60 =	vand.u32 $0xFFFFF000, v6;
	v0 =	vor.u32 v0, v4  }
0x37: {  	v56 =	vld [tilespmem:$0x550];
	v55 =	vand.u32 $0xFFF, v40;
	v6 =	vand.u32 $0xFFFFF000, v61;
	v1 =	vor.u32 v1, v60;
	[tilespmem:$0x400] =	vst v0  }
0x38: {  	v16 =	vand.u32 $0xFFFFF000, v9;
	v9 =	vand.u32 $0xFFFFF000, v17;
	v2 =	vor.u32 v2, v6;
	[tilespmem:$0x410] =	vst v1  }
0x39: {  	v21 =	vand.u32 $0xFFFFF000, v12;
	v12 =	vand.u32 $0xFFFFF000, v22;
	v18 =	vor.u32 v7, v9;
	[tilespmem:$0x420] =	vst v2  }
0x3a: {  	v58 =	vshra.s32 v45, $0x1;
	v32 =	vand.u32 $0xFFFFF000, v30;
	v23 =	vor.u32 v10, v12;
	[tilespmem:$0x450] =	vst v18  }
0x3b: {  	v14 =	vshra.s32 v50, $0x1;
	v4 =	vand.u32 $0xFFFFF000, v62;
	v35 =	vor.u32 v33, v32;
	[tilespmem:$0x480] =	vst v23  }
0x3c: {  	v59 =	vld [tilespmem:$0x560];
	v15 =	vand.u32 $0xFFF, v47;
	v20 =	vshra.s32 v56, $0x1;
	v3 =	vor.u32 v3, v4;
	[tilespmem:$0x4B0] =	vst v35  }
0x3d: {  	v26 =	vand.u32 $0xFFFFF000, v24;
	v7 =	vand.u32 $0xFFFFF000, v19;
	v4 =	vor.u32 v5, v16;
	[tilespmem:$0x430] =	vst v3  }
0x3e: {  	v29 =	vand.u32 $0xFFFFF000, v28;
	v6 =	vand.u32 $0xFFF, v63;
	v7 =	vor.u32 v8, v7;
	[tilespmem:$0x440] =	vst v4  }
0x3f: {  	v41 =	vand.u32 $0xFFFFF000, v39;
	v52 =	vand.u32 $0xFFFFF000, v49;
	v6 =	vor.u32 v6, v21;
	[tilespmem:$0x460] =	vst v7  }
0x40: {  	v61 =	vand.u32 $0xFFF, v45;
	v22 =	vand.u32 $0xFFFFF000, v20;
	v0 =	vor.u32 v27, v26;
	[tilespmem:$0x470] =	vst v6  }
0x41: {  	v24 =	vshra.s32 v59, $0x1;
	v28 =	vand.u32 $0xFFF, v59;
	v1 =	vor.u32 v31, v29;
	[tilespmem:$0x490] =	vst v0  }
0x42: {  	v25 =	vld [tilespmem:$0x5A0];
	v60 =	vand.u32 $0xFFFFF000, v58;
	v5 =	vand.u32 $0xFFFFF000, v42;
	v4 =	vor.u32 v43, v41;
	[tilespmem:$0x4A0] =	vst v1  }
0x43: {  	v34 =	vld [tilespmem:$0x5C0];
	v62 =	vshra.s32 v47, $0x1;
	v8 =	vand.u32 $0xFFFFF000, v53;
	v5 =	vor.u32 v44, v5;
	[tilespmem:$0x4D0] =	vst v4  }
0x44: {  	v37 =	vld [tilespmem:$0x5D0];
	v13 =	vand.u32 $0xFFFFF000, v62;
	v16 =	vand.u32 $0xFFF, v50;
	v1 =	vor.u32 v54, v52;
	[tilespmem:$0x4E0] =	vst v5  }
0x45: {  	v23 =	vand.u32 $0xFFF, v56;
	v26 =	vand.u32 $0xFFFFF000, v24;
	v57 =	vor.u32 v55, v8;
	[tilespmem:$0x500] =	vst v1  }
0x46: {  	v17 =	vld [tilespmem:$0x580];
	v3 =	vand.u32 $0xFFFFF000, v36;
	v6 =	vand.u32 $0xFFFFF000, v46;
	v18 =	vor.u32 v15, v13;
	[tilespmem:$0x510] =	vst v57  }
0x47: {  	v30 =	vld [tilespmem:$0x5B0];
	v31 =	vor.u32 v28, v26;
	v3 =	vor.u32 v38, v3;
	v51 =	vor.u32 v48, v6;
	[tilespmem:$0x530] =	vst v18  }
0x48: {  	v63 =	vld [tilespmem:$0x570];
	v6 =	vand.u32 $0xFFFFF000, v14;
	v1 =	vor.u32 v23, v22;
	v40 =	vshra.s32 v25, $0x1;
	[tilespmem:$0x560] =	vst v31  }
0x49: {  	v42 =	vand.u32 $0xFFF, v25;
	v49 =	vshra.s32 v34, $0x1;
	v52 =	vshra.s32 v37, $0x1;
	[tilespmem:$0x4C0] =	vst v3  }
0x4a: {  	v53 =	vand.u32 $0xFFF, v34;
	v54 =	vand.u32 $0xFFF, v37;
	v3 =	vor.u32 v61, v60;
	[tilespmem:$0x4F0] =	vst v51  }
0x4b: {  	v21 =	vld [tilespmem:$0x590];
	v19 =	vor.u32 v16, v6;
	v33 =	vshra.s32 v17, $0x1;
	v35 =	vand.u32 $0xFFF, v17;
	[tilespmem:$0x550] =	vst v1  }
0x4c: {  	v4 =	vand.u32 $0xFFFFF000, v40;
	v45 =	vshra.s32 v30, $0x1;
	v48 =	vand.u32 $0xFFF, v30;
	[tilespmem:$0x520] =	vst v3  }
0x4d: {  	v43 =	vld [tilespmem:$0x5E0];
	v51 =	vand.u32 $0xFFFFF000, v49;
	v27 =	vshra.s32 v63, $0x1;
	[tilespmem:$0x540] =	vst v19;
	v44 =	vor.u32 v42, v4  }
0x4e: {  	v46 =	vld [tilespmem:$0x5F0];
	v29 =	vand.u32 $0xFFF, v63;
	v3 =	vand.u32 $0xFFFFF000, v33;
	v55 =	vor.u32 v53, v51;
	[tilespmem:$0x5A0] =	vst v44  }
0x4f: {  	v47 =	vand.u32 $0xFFFFF000, v45;
	v5 =	vand.u32 $0xFFFFF000, v27;
	v38 =	vor.u32 v35, v3;
	[tilespmem:$0x5C0] =	vst v55  }
0x50: {  	v36 =	vshra.s32 v21, $0x1;
	v41 =	vand.u32 $0xFFF, v21;
	v50 =	vor.u32 v48, v47;
	[tilespmem:$0x580] =	vst v38  }
0x51: {  	v3 =	vand.u32 $0xFFFFF000, v52;
	v32 =	vor.u32 v29, v5;
	v39 =	vand.u32 $0xFFFFF000, v36;
	[tilespmem:$0x5B0] =	vst v50  }
0x52: {  	v56 =	vor.u32 v54, v3;
	v57 =	vshra.s32 v43, $0x1;
	v59 =	vand.u32 $0xFFF, v43;
	[tilespmem:$0x570] =	vst v32  }
0x53: {  	v60 =	vshra.s32 v46, $0x1;
	v0 =	vor.u32 v41, v39;
	v58 =	vand.u32 $0xFFFFF000, v57;
	[tilespmem:$0x5D0] =	vst v56  }
0x54: {  	v62 =	vand.u32 $0xFFF, v46;
	v61 =	vand.u32 $0xFFFFF000, v60;
	[tilespmem:$0x590] =	vst v0;
	v0 =	vor.u32 v59, v58  }
0x55: {  	v63 =	vor.u32 v62, v61;
	[tilespmem:$0x5E0] =	vst v0  }
0x56: {  	[tilespmem:$0x5F0] =	vst v63  }
0x57: {  	[tilespmem:s30], [sflag:$0x1] =	stream.indirect.gather [hbm4b:s3+s24], $0x80, s2, s24, $0xb8;
	[tilespmem:$0x8600] =	vst v63  }
0x58: {  	_ = 	snop  }
0x59: {  	[tilespmem:s25], [sflag:$0x2] =	stream.indirect.gather [hbm4b:s3+s24], $0x80, s24, s24, $0xb8;
	[tilespmem:$0x8600] =	vst v63  }
0x5a: {  	_ =	swait.ge [sflag:s26], $0x4000  }
0x5b: {  	s7 =	simm.s32 $0x600;
	s1 =	simm.s32 $0x10;
	[sflag:s26] =	ssyncset.done $0x0  }
0x5c: {  	s6 =	simm.s32 $0x680;
	s22 =	sadd.s32 $0x0, s8;
	[sflag:s26] =	ssyncadd.s32 $0xFFFFC000  }
.LBB2_2:
0x5d: {  	[hbm4b:s22+s2] =	stream.linear.scatter [tilespmem:s7], [sflag:$0x3], $0x40, $0x38;
	[tilespmem:$0x8600] =	vst v63  }
0x5e: {  	s22 =	smov.u32 s1;
	s7 =	smov.u32 s6;
	p0 =	sne.s32 s1, $0x7F0  }
.Ltmp0:
0x5f: {  	s1 =	sadd.s32 $0x10, s1;
	(pc) =	sbr.rel @p0 .LBB2_2-.Ltmp0, $2  }
0x60: {  	_ =	sdelay $0x2  }
0x61: {  	s6 =	sadd.s32 $0x80, s6;
	s22 =	sadd.s32 s22, s8  }
0x62: {  	[hbm4b:s22+s2] =	stream.linear.scatter [tilespmem:s7], [sflag:$0x3], $0x40, $0x38;
	[tilespmem:$0x8600] =	vst v63  }
0x63: {  	_ =	swait.ge [sflag:s28], $0x2000  }
0x64: {  	[sflag:s28] =	ssyncset.done $0x0  }
0x65: {  	s1 =	simm.s32 $0x100;
	[sflag:s28] =	ssyncadd.s32 $0xFFFFE000  }
0x66: {  	[tilespmem:s30], [sflag:$0x1] =	stream.indirect.gather [hbm4b:s3+s24], $0x80, s1, s24, $0xb8;
	[tilespmem:$0x8600] =	vst v63  }
0x67: {  	_ =	swait.ge [sflag:s31], $0x4000  }
0x68: {  	s6 =	simm.s32 $0x10;
	s22 =	sadd.s32 $0x0, s9;
	[sflag:s31] =	ssyncset.done $0x0  }
0x69: {  	s7 =	simm.s32 $0x4680;
	s1 =	simm.s32 $0x4600;
	[sflag:s31] =	ssyncadd.s32 $0xFFFFC000  }
.LBB2_4:
0x6a: {  	[hbm4b:s22+s2] =	stream.linear.scatter [tilespmem:s1], [sflag:$0x4], $0x40, $0x38;
	[tilespmem:$0x8600] =	vst v63  }
0x6b: {  	s22 =	smov.u32 s6;
	s1 =	smov.u32 s7;
	p0 =	sne.s32 s6, $0x7F0  }
.Ltmp1:
0x6c: {  	s6 =	sadd.s32 $0x10, s6;
	(pc) =	sbr.rel @p0 .LBB2_4-.Ltmp1, $2  }
0x6d: {  	_ =	sdelay $0x2  }
0x6e: {  	s7 =	sadd.s32 $0x80, s7;
	s22 =	sadd.s32 s22, s9  }
0x6f: {  	[hbm4b:s22+s2] =	stream.linear.scatter [tilespmem:s1], [sflag:$0x4], $0x40, $0x38;
	[tilespmem:$0x8600] =	vst v63  }
0x70: {  	_ =	swait.ge [sflag:s0], $0x2000  }
0x71: {  	[sflag:s0] =	ssyncset.done $0x0  }
0x72: {  	s22 =	simm.s32 $0x180;
	[sflag:s0] =	ssyncadd.s32 $0xFFFFE000  }
0x73: {  	[tilespmem:s25], [sflag:$0x2] =	stream.indirect.gather [hbm4b:s3+s24], $0x80, s22, s24, $0xb8;
	[tilespmem:$0x8600] =	vst v63  }
0x74: {  	_ =	swait.ge [sflag:s26], $0x4000  }
0x75: {  	s1 =	simm.s32 $0x600;
	s6 =	simm.s32 $0x10;
	[sflag:s26] =	ssyncset.done $0x0  }
0x76: {  	s7 =	simm.s32 $0x680;
	s22 =	sadd.s32 $0x0, s10;
	[sflag:s26] =	ssyncadd.s32 $0xFFFFC000  }
.LBB2_6:
0x77: {  	[hbm4b:s22+s2] =	stream.linear.scatter [tilespmem:s1], [sflag:$0x3], $0x40, $0x38;
	[tilespmem:$0x8600] =	vst v63  }
0x78: {  	s22 =	smov.u32 s6;
	s1 =	smov.u32 s7;
	p0 =	sne.s32 s6, $0x7F0  }
.Ltmp2:
0x79: {  	s6 =	sadd.s32 $0x10, s6;
	(pc) =	sbr.rel @p0 .LBB2_6-.Ltmp2, $2  }
0x7a: {  	_ =	sdelay $0x2  }
0x7b: {  	s7 =	sadd.s32 $0x80, s7;
	s22 =	sadd.s32 s22, s10  }
0x7c: {  	[hbm4b:s22+s2] =	stream.linear.scatter [tilespmem:s1], [sflag:$0x3], $0x40, $0x38;
	[tilespmem:$0x8600] =	vst v63  }
0x7d: {  	_ =	swait.ge [sflag:s28], $0x2000  }
0x7e: {  	[sflag:s28] =	ssyncset.done $0x0  }
0x7f: {  	s22 =	simm.s32 $0x200;
	[sflag:s28] =	ssyncadd.s32 $0xFFFFE000  }
0x80: {  	[tilespmem:s30], [sflag:$0x1] =	stream.indirect.gather [hbm4b:s3+s24], $0x80, s22, s24, $0xb8;
	[tilespmem:$0x8600] =	vst v63  }
0x81: {  	_ =	swait.ge [sflag:s31], $0x4000  }
0x82: {  	s1 =	simm.s32 $0x4600;
	s6 =	simm.s32 $0x10;
	[sflag:s31] =	ssyncset.done $0x0  }
0x83: {  	s7 =	simm.s32 $0x4680;
	s22 =	sadd.s32 $0x0, s11;
	[sflag:s31] =	ssyncadd.s32 $0xFFFFC000  }
.LBB2_8:
0x84: {  	[hbm4b:s22+s2] =	stream.linear.scatter [tilespmem:s1], [sflag:$0x4], $0x40, $0x38;
	[tilespmem:$0x8600] =	vst v63  }
0x85: {  	s22 =	smov.u32 s6;
	s1 =	smov.u32 s7;
	p0 =	sne.s32 s6, $0x7F0  }
.Ltmp3:
0x86: {  	s6 =	sadd.s32 $0x10, s6;
	(pc) =	sbr.rel @p0 .LBB2_8-.Ltmp3, $2  }
0x87: {  	_ =	sdelay $0x2  }
0x88: {  	s7 =	sadd.s32 $0x80, s7;
	s22 =	sadd.s32 s22, s11  }
0x89: {  	[hbm4b:s22+s2] =	stream.linear.scatter [tilespmem:s1], [sflag:$0x4], $0x40, $0x38;
	[tilespmem:$0x8600] =	vst v63  }
0x8a: {  	_ =	swait.ge [sflag:s0], $0x2000  }
0x8b: {  	[sflag:s0] =	ssyncset.done $0x0  }
0x8c: {  	s22 =	simm.s32 $0x280;
	[sflag:s0] =	ssyncadd.s32 $0xFFFFE000  }
0x8d: {  	[tilespmem:s25], [sflag:$0x2] =	stream.indirect.gather [hbm4b:s3+s24], $0x80, s22, s24, $0xb8;
	[tilespmem:$0x8600] =	vst v63  }
0x8e: {  	_ =	swait.ge [sflag:s26], $0x4000  }
0x8f: {  	s1 =	simm.s32 $0x640;
	s6 =	simm.s32 $0x10;
	[sflag:s26] =	ssyncset.done $0x0  }
0x90: {  	s7 =	simm.s32 $0x6C0;
	s22 =	sadd.s32 $0x0, s12;
	[sflag:s26] =	ssyncadd.s32 $0xFFFFC000  }
.LBB2_10:
0x91: {  	[hbm4b:s22+s2] =	stream.linear.scatter [tilespmem:s1], [sflag:$0x3], $0x40, $0x38;
	[tilespmem:$0x8600] =	vst v63  }
0x92: {  	s22 =	smov.u32 s6;
	s1 =	smov.u32 s7;
	p0 =	sne.s32 s6, $0x7F0  }
.Ltmp4:
0x93: {  	s6 =	sadd.s32 $0x10, s6;
	(pc) =	sbr.rel @p0 .LBB2_10-.Ltmp4, $2  }
0x94: {  	_ =	sdelay $0x2  }
0x95: {  	s7 =	sadd.s32 $0x80, s7;
	s22 =	sadd.s32 s22, s12  }
0x96: {  	[hbm4b:s22+s2] =	stream.linear.scatter [tilespmem:s1], [sflag:$0x3], $0x40, $0x38;
	[tilespmem:$0x8600] =	vst v63  }
0x97: {  	_ =	swait.ge [sflag:s28], $0x2000  }
0x98: {  	[sflag:s28] =	ssyncset.done $0x0  }
0x99: {  	s22 =	simm.s32 $0x300;
	[sflag:s28] =	ssyncadd.s32 $0xFFFFE000  }
0x9a: {  	[tilespmem:s30], [sflag:$0x1] =	stream.indirect.gather [hbm4b:s3+s24], $0x80, s22, s24, $0xb8;
	[tilespmem:$0x8600] =	vst v63  }
0x9b: {  	_ =	swait.ge [sflag:s31], $0x4000  }
0x9c: {  	s1 =	simm.s32 $0x4640;
	s6 =	simm.s32 $0x10;
	[sflag:s31] =	ssyncset.done $0x0  }
0x9d: {  	s7 =	simm.s32 $0x46C0;
	s22 =	sadd.s32 $0x0, s13;
	[sflag:s31] =	ssyncadd.s32 $0xFFFFC000  }
.LBB2_12:
0x9e: {  	[hbm4b:s22+s2] =	stream.linear.scatter [tilespmem:s1], [sflag:$0x4], $0x40, $0x38;
	[tilespmem:$0x8600] =	vst v63  }
0x9f: {  	s22 =	smov.u32 s6;
	s1 =	smov.u32 s7;
	p0 =	sne.s32 s6, $0x7F0  }
.Ltmp5:
0xa0: {  	s6 =	sadd.s32 $0x10, s6;
	(pc) =	sbr.rel @p0 .LBB2_12-.Ltmp5, $2  }
0xa1: {  	_ =	sdelay $0x2  }
0xa2: {  	s7 =	sadd.s32 $0x80, s7;
	s22 =	sadd.s32 s22, s13  }
0xa3: {  	[hbm4b:s22+s2] =	stream.linear.scatter [tilespmem:s1], [sflag:$0x4], $0x40, $0x38;
	[tilespmem:$0x8600] =	vst v63  }
0xa4: {  	_ =	swait.ge [sflag:s0], $0x2000  }
0xa5: {  	[sflag:s0] =	ssyncset.done $0x0  }
0xa6: {  	s22 =	simm.s32 $0x380;
	[sflag:s0] =	ssyncadd.s32 $0xFFFFE000  }
0xa7: {  	[tilespmem:s25], [sflag:$0x2] =	stream.indirect.gather [hbm4b:s3+s24], $0x80, s22, s24, $0xb8;
	[tilespmem:$0x8600] =	vst v63  }
0xa8: {  	_ =	swait.ge [sflag:s26], $0x4000  }
0xa9: {  	s1 =	simm.s32 $0x640;
	s6 =	simm.s32 $0x10;
	[sflag:s26] =	ssyncset.done $0x0  }
0xaa: {  	s7 =	simm.s32 $0x6C0;
	s22 =	sadd.s32 $0x0, s14;
	[sflag:s26] =	ssyncadd.s32 $0xFFFFC000  }
.LBB2_14:
0xab: {  	[hbm4b:s22+s2] =	stream.linear.scatter [tilespmem:s1], [sflag:$0x3], $0x40, $0x38;
	[tilespmem:$0x8600] =	vst v63  }
0xac: {  	s22 =	smov.u32 s6;
	s1 =	smov.u32 s7;
	p0 =	sne.s32 s6, $0x7F0  }
.Ltmp6:
0xad: {  	s6 =	sadd.s32 $0x10, s6;
	(pc) =	sbr.rel @p0 .LBB2_14-.Ltmp6, $2  }
0xae: {  	_ =	sdelay $0x2  }
0xaf: {  	s7 =	sadd.s32 $0x80, s7;
	s22 =	sadd.s32 s22, s14  }
0xb0: {  	[hbm4b:s22+s2] =	stream.linear.scatter [tilespmem:s1], [sflag:$0x3], $0x40, $0x38;
	[tilespmem:$0x8600] =	vst v63  }
0xb1: {  	_ =	swait.ge [sflag:s28], $0x2000  }
0xb2: {  	[sflag:s28] =	ssyncset.done $0x0  }
0xb3: {  	[sflag:s28] =	ssyncadd.s32 $0xFFFFE000  }
0xb4: {  	[tilespmem:s30], [sflag:$0x1] =	stream.indirect.gather [hbm4b:s4+s24], $0x80, s23, s24, $0xb8;
	[tilespmem:$0x8600] =	vst v63  }
0xb5: {  	_ =	swait.ge [sflag:s31], $0x4000  }
0xb6: {  	s1 =	simm.s32 $0x4640;
	s6 =	simm.s32 $0x10;
	[sflag:s31] =	ssyncset.done $0x0  }
0xb7: {  	s22 =	sadd.s32 $0x0, s15;
	s7 =	simm.s32 $0x46C0;
	[sflag:s31] =	ssyncadd.s32 $0xFFFFC000  }
.LBB2_16:
0xb8: {  	[hbm4b:s22+s2] =	stream.linear.scatter [tilespmem:s1], [sflag:$0x4], $0x40, $0x38;
	[tilespmem:$0x8600] =	vst v63  }
0xb9: {  	s22 =	smov.u32 s6;
	s1 =	smov.u32 s7;
	p0 =	sne.s32 s6, $0x7F0  }
.Ltmp7:
0xba: {  	s6 =	sadd.s32 $0x10, s6;
	(pc) =	sbr.rel @p0 .LBB2_16-.Ltmp7, $2  }
0xbb: {  	_ =	sdelay $0x2  }
0xbc: {  	s7 =	sadd.s32 $0x80, s7;
	s22 =	sadd.s32 s22, s15  }
0xbd: {  	[hbm4b:s22+s2] =	stream.linear.scatter [tilespmem:s1], [sflag:$0x4], $0x40, $0x38;
	[tilespmem:$0x8600] =	vst v63  }
0xbe: {  	_ =	swait.ge [sflag:s0], $0x2000  }
0xbf: {  	[sflag:s0] =	ssyncset.done $0x0  }
0xc0: {  	s6 =	simm.s32 $0x480;
	[sflag:s0] =	ssyncadd.s32 $0xFFFFE000  }
0xc1: {  	[tilespmem:s25], [sflag:$0x2] =	stream.indirect.gather [hbm4b:s4+s24], $0x80, s6, s24, $0xb8;
	[tilespmem:$0x8600] =	vst v63  }
0xc2: {  	_ =	swait.ge [sflag:s26], $0x4000  }
0xc3: {  	[sflag:s26] =	ssyncset.done $0x0  }
0xc4: {  	[sflag:s26] =	ssyncadd.s32 $0xFFFFC000  }
0xc5: {  	[hbm4b:s16+s2] =	stream.linear.scatter [tilespmem:s30], [sflag:$0x3], $0x4000, $0x38;
	[tilespmem:$0x8600] =	vst v63  }
0xc6: {  	_ =	swait.ge [sflag:s28], $0x4000  }
0xc7: {  	[sflag:s28] =	ssyncset.done $0x0  }
0xc8: {  	s7 =	simm.s32 $0x500;
	[sflag:s28] =	ssyncadd.s32 $0xFFFFC000  }
0xc9: {  	[tilespmem:s30], [sflag:$0x1] =	stream.indirect.gather [hbm4b:s4+s24], $0x80, s7, s24, $0xb8;
	[tilespmem:$0x8600] =	vst v63  }
0xca: {  	_ =	swait.ge [sflag:s31], $0x4000  }
0xcb: {  	[sflag:s31] =	ssyncset.done $0x0  }
0xcc: {  	[sflag:s31] =	ssyncadd.s32 $0xFFFFC000  }
0xcd: {  	[hbm4b:s17+s2] =	stream.linear.scatter [tilespmem:s25], [sflag:$0x4], $0x4000, $0x38;
	[tilespmem:$0x8600] =	vst v63  }
0xce: {  	_ =	swait.ge [sflag:s0], $0x4000  }
0xcf: {  	[sflag:s0] =	ssyncset.done $0x0  }
0xd0: {  	s22 =	simm.s32 $0x580;
	[sflag:s0] =	ssyncadd.s32 $0xFFFFC000  }
0xd1: {  	[tilespmem:s25], [sflag:$0x2] =	stream.indirect.gather [hbm4b:s4+s24], $0x80, s22, s24, $0xb8;
	[tilespmem:$0x8600] =	vst v63  }
0xd2: {  	_ =	swait.ge [sflag:s26], $0x4000  }
0xd3: {  	[sflag:s26] =	ssyncset.done $0x0  }
0xd4: {  	[sflag:s26] =	ssyncadd.s32 $0xFFFFC000  }
0xd5: {  	[hbm4b:s18+s2] =	stream.linear.scatter [tilespmem:s30], [sflag:$0x3], $0x4000, $0x38;
	[tilespmem:$0x8600] =	vst v63  }
0xd6: {  	_ =	swait.ge [sflag:s31], $0x4000  }
0xd7: {  	[sflag:s31] =	ssyncset.done $0x0  }
0xd8: {  	s29 =	sadd.s32 $0x1, s29;
	[sflag:s31] =	ssyncadd.s32 $0xFFFFC000  }
0xd9: {  	[hbm4b:s19+s2] =	stream.linear.scatter [tilespmem:s25], [sflag:$0x4], $0x4000, $0x38;
	[tilespmem:$0x8600] =	vst v63  }
0xda: {  	p0 =	sne.s32 s29, s20;
	_ =	swait.ge [sflag:s28], $0x4000  }
.Ltmp8:
0xdb: {  	[sflag:s28] =	ssyncset.done $0x0;
	(pc) =	sbr.rel @p0 .LBB2_1-.Ltmp8, $4  }
0xdc: {  	[sflag:s28] =	ssyncadd.s32 $0xFFFFC000  }
0xdd: {  	_ =	swait.ge [sflag:s0], $0x4000  }
0xde: {  	[sflag:s0] =	ssyncset.done $0x0  }
0xdf: {  	[sflag:s0] =	ssyncadd.s32 $0xFFFFC000  }
0xe0: {  	_ =	sfence.sel $0x180000  }
0xe1: {  	[bflag:$0x0] =	sbarrier.arrive $0xFFFF  }
0xe2: {  	_ =	strace $0x90000047  }
0xe3: {  	s0 =	stileid.u32;
	[bflag:$0x2] =	sbarrier.arrive $0xFFFF  }
0xe4: {  	p0 =	sne.s32 s0, $0x0;
	s0 =	rddreg [dreg:$0x2]  }
0xe5: {  	s0 =	sadd.s32 @!p0 $0x100000, s0  }
0xe6: {  	[sflag:s0] =	ssyncadd.tile.s32 @!p0 $0x1;
	_ =	shalt  }
.Lfunc_end2:
_tile_overlayer_lowered:
.L_overlay_start_2:
0xe7: {  	(tag) =	ssettag $0x2  }
0xe8: {  	s0 =	rddreg [dreg:$0x0];
	s2 =	stileid.u32  }
0xe9: {  	s1 =	rddreg [dreg:$0x1];
	p0 =	sne.s32 s2, $0x0  }
0xea: {  	s3 =	rddreg [dreg:$0x2];
	[bflag:$0x3] =	sbarrier.arrive $0xFFFF;
	s2 =	simm.s32 @!p0 $0x1C05  }
0xeb: {  	[timem:s3], [sflag:s2] =	dma.local @!p0 [hbm:s0], s1  }
0xec: {  	s0 =	simm.s32 @!p0 $0x5  }
0xed: {  	_ =	swait.ge @!p0 [sflag:s0], s1  }
0xee: {  	s1 =	ssub.s32 @!p0 $0x0, s1;
	[sflag:s0] =	ssyncset.done @!p0 $0x0  }
0xef: {  	[sflag:s0] =	ssyncadd.s32 @!p0 s1  }
0xf0: {  	[bflag:$0x3] =	sbarrier.arrive $0xFFFF  }
0xf1: {  	_ =	shalt  }

</sc_bundles>
